<compile_context>
chip_gen: v7x
topology: tpu7x:2x2x1
jax: 0.10.2.dev20260603
libtpu: 0.0.44.dev20260713+nightly
codegen_flags: <defaults>
</compile_context>

<pallas_src>
import functools

import jax
import jax.numpy as jnp
from jax import lax
from jax.experimental import pallas as pl
from jax.experimental.pallas import tpu as pltpu
from jax.experimental.pallas import tpu_sc as plsc

NC = 2
NS = 16
NW = NC * NS


def _row_dma_gather(tbl_hbm, idx_v, out_hbm, buf, sem, sem_wb, base, n):
    @pl.loop(0, n // 16)
    def _(g):
        k0 = g * 16
        iv = idx_v[pl.ds(k0, 16)]
        for j in range(16):
            pltpu.async_copy(tbl_hbm.at[iv[j]], buf.at[k0 + j], sem)

    pltpu.make_async_copy(tbl_hbm.at[pl.ds(0, n)], buf, sem).wait()
    pltpu.async_copy(buf, out_hbm.at[pl.ds(base, n)], sem_wb).wait()


def _sc_gather_pat(pat_lat, idx_pat):
    B = idx_pat.shape[0]
    D = pat_lat.shape[1]
    b_per_w = B // NW
    mesh = plsc.VectorSubcoreMesh(core_axis_name="c", subcore_axis_name="s")

    @functools.partial(
        pl.kernel,
        mesh=mesh,
        out_type=jax.ShapeDtypeStruct((B, D), jnp.float32),
        scratch_types=[
            pltpu.VMEM((b_per_w,), jnp.int32),
            pltpu.VMEM((b_per_w, 32), jnp.float32),
            pltpu.SemaphoreType.DMA,
            pltpu.SemaphoreType.DMA,
        ],
    )
    def gather_kernel(pat_hbm, ip_hbm, pat_out, ipv, buf, sem, sem_wb):
        wid = lax.axis_index("s") * NC + lax.axis_index("c")
        base = wid * b_per_w
        pltpu.sync_copy(ip_hbm.at[pl.ds(base, b_per_w)], ipv)
        _row_dma_gather(pat_hbm, ipv, pat_out, buf, sem, sem_wb, base,
                        b_per_w)

    return gather_kernel(pat_lat, idx_pat)


def _sc_gather_small(meas_lat, time_lat, idx_meas, idx_t):
    B = idx_meas.shape[0]
    D = meas_lat.shape[1]
    b_per_w = B // NW
    out_t = jax.ShapeDtypeStruct((B, D), jnp.float32)
    mesh = plsc.VectorSubcoreMesh(core_axis_name="c", subcore_axis_name="s")

    @functools.partial(
        pl.kernel,
        mesh=mesh,
        out_type=(out_t, out_t),
        scratch_types=[
            pltpu.VMEM((b_per_w,), jnp.int32),
            pltpu.VMEM((b_per_w,), jnp.int32),
            pltpu.VMEM((b_per_w, 32), jnp.float32),
            pltpu.SemaphoreType.DMA,
            pltpu.SemaphoreType.DMA,
        ],
    )
    def gather_kernel(meas_hbm, tim_hbm, im_hbm, it_hbm,
                      meas_out, tim_out, imv, itv, buf, sem, sem_wb):
        wid = lax.axis_index("s") * NC + lax.axis_index("c")
        base = wid * b_per_w
        pltpu.sync_copy(im_hbm.at[pl.ds(base, b_per_w)], imv)
        pltpu.sync_copy(it_hbm.at[pl.ds(base, b_per_w)], itv)
        _row_dma_gather(meas_hbm, imv, meas_out, buf, sem, sem_wb, base,
                        b_per_w)
        _row_dma_gather(tim_hbm, itv, tim_out, buf, sem, sem_wb, base,
                        b_per_w)

    return gather_kernel(meas_lat, time_lat, idx_meas, idx_t)


def _tc_combine_body(pat_ref, meas_ref, tim_ref, cu_ref, cw_ref,
                     bu_ref, bw_ref, s_ref, out_ref):
    u = jnp.dot(cu_ref[...], bu_ref[...],
                preferred_element_type=jnp.float32,
                precision=lax.Precision.HIGHEST)
    w = jnp.dot(cw_ref[...], bw_ref[...],
                preferred_element_type=jnp.float32,
                precision=lax.Precision.HIGHEST)
    prod = (pat_ref[...] + u) * meas_ref[...] * (tim_ref[...] + w)
    out_ref[...] = jnp.dot(prod, s_ref[...],
                           preferred_element_type=jnp.float32,
                           precision=lax.Precision.HIGHEST)


def kernel(idx_pat, idx_meas, idx_t, cov_u, cov_w, pat_lat, meas_lat,
           time_lat, beta_u, beta_w):
    B = idx_pat.shape[0]
    D = pat_lat.shape[1]
    NU = cov_u.shape[1]
    NWc = cov_w.shape[1]
    PACK = 128 // D
    R = B // PACK

    meas_g, tim_g = _sc_gather_small(
        meas_lat, time_lat,
        idx_meas.astype(jnp.int32), idx_t.astype(jnp.int32))
    pat_g = _sc_gather_pat(pat_lat, idx_pat.astype(jnp.int32))

    pat4 = pat_g.reshape(R, PACK * D)
    meas4 = meas_g.reshape(R, PACK * D)
    tim4 = tim_g.reshape(R, PACK * D)
    cu4 = cov_u.reshape(R, PACK * NU)
    cw4 = cov_w.reshape(R, PACK * NWc)

    eye = jnp.eye(PACK, dtype=jnp.float32)
    bu_bd = jnp.kron(eye, beta_u)
    bw_bd = jnp.kron(eye, beta_w)
    s_mat = jnp.kron(eye, jnp.ones((D, 1), jnp.float32))

    out4 = pl.pallas_call(
        _tc_combine_body,
        out_shape=jax.ShapeDtypeStruct((R, PACK), jnp.float32),
    )(pat4, meas4, tim4, cu4, cw4, bu_bd, bw_bd, s_mat)
    return out4.reshape(B)

# --- scband reference (transcript-rebuilt; emitter-appended) ---
"""Pipeline reference for scband-tensor-fact-12257836663394 (READ-ONLY COPY).

The authoritative reference and input builder live on the scoring server;
editing this copy changes nothing except your own understanding.
"""

import jax, jax.numpy as jnp
import numpy as np

B = 16384
N_PAT = 1000000
N_MEAS = 1000
N_T = 200
L_DIM = 32
N_U = 26
N_W = 26

def setup_inputs(seed: int = 0) -> dict:
    key = jax.random.key(seed)
    ks = jax.random.split(key, 10)
    return {
        "idx_pat": jax.random.randint(ks[0], (B,), 0, N_PAT, dtype=jnp.int64) if jax.config.jax_enable_x64 else jax.random.randint(ks[0], (B,), 0, N_PAT),
        "idx_meas": jax.random.randint(ks[1], (B,), 0, N_MEAS),
        "idx_t": jax.random.randint(ks[2], (B,), 0, N_T),
        "cov_u": jax.random.normal(ks[3], (B, N_U), dtype=jnp.float32),
        "cov_w": jax.random.normal(ks[4], (B, N_W), dtype=jnp.float32),
        "pat_lat": 0.25 * jax.random.normal(ks[5], (N_PAT, L_DIM), dtype=jnp.float32),
        "meas_lat": 0.25 * jax.random.normal(ks[6], (N_MEAS, L_DIM), dtype=jnp.float32),
        "time_lat": 0.005 * jax.random.normal(ks[7], (N_T, L_DIM), dtype=jnp.float32),
        "beta_u": jax.random.normal(ks[8], (N_U, L_DIM), dtype=jnp.float32),
        "beta_w": jax.random.normal(ks[9], (N_W, L_DIM), dtype=jnp.float32),
    }

def reference(idx_pat, idx_meas, idx_t, cov_u, cov_w, pat_lat, meas_lat, time_lat, beta_u, beta_w):
    pat = jnp.take(pat_lat, idx_pat, axis=0)
    meas = jnp.take(meas_lat, idx_meas, axis=0)
    tim = jnp.take(time_lat, idx_t, axis=0)
    pred = ((pat + cov_u @ beta_u) * meas * (tim + cov_w @ beta_w)).sum(1)
    return pred

if __name__ == "__main__":
    import jax
    _d = setup_inputs()
    print(jax.jit(kernel)(*tuple(_d.values())))

</pallas_src>

<mosaic_0001>
#map = affine_map<(d0, d1) -> (0, 0)>
#map1 = affine_map<(d0, d1) -> (0)>
module attributes {stable_mosaic.version = 14 : i64} {
  func.func @gather_kernel(%arg0: i32, %arg1: i32, %arg2: memref<1000000x32xf32, #tpu.memory_space<hbm>>, %arg3: memref<16384xi32, #tpu.memory_space<hbm>>, %arg4: memref<16384x32xf32, #tpu.memory_space<hbm>>, %arg5: memref<512xi32, #tpu.memory_space<vmem>>, %arg6: memref<512x32xf32, #tpu.memory_space<vmem>>, %arg7: memref<!tpu.dma_semaphore, #tpu.memory_space<semaphore_mem>>, %arg8: memref<!tpu.dma_semaphore, #tpu.memory_space<semaphore_mem>>) attributes {dimension_semantics = [#tpu.dimension_semantics<core_parallel>, #tpu.dimension_semantics<subcore_parallel>], iteration_bounds = array<i64: 2, 16>, scalar_prefetch = 0 : i64, scratch_operands = 4 : i64, tpu.core_type = #tpu.core_type<sc_vector_subcore>, window_params = [{transform_indices = #map}, {transform_indices = #map1}, {transform_indices = #map}]} {
    %mul3A = arith.constant 2 : i32
    %mul3A_0 = arith.muli %arg1, %mul3A : i32
    %add3A = arith.addi %mul3A_0, %arg0 : i32
    %mul3A_1 = arith.constant 512 : i32
    %mul3A_2 = arith.muli %add3A, %mul3A_1 : i32
    "tpu.region"() ({
      %run_scoped3A = tpu.sem_alloc : memref<!tpu.dma_semaphore, #tpu.memory_space<semaphore_mem>>
      %dma_start3A_19 = tpu.memref_slice %arg3[%mul3A_2] : memref<16384xi32, #tpu.memory_space<hbm>> -> memref<512xi32, #tpu.memory_space<hbm>>
      %dma_start3A_20 = tpu.memref_slice %arg3[%mul3A_2] : memref<16384xi32, #tpu.memory_space<hbm>> -> memref<512xi32, #tpu.memory_space<hbm>>
      tpu.enqueue_dma source(%dma_start3A_20 : memref<512xi32, #tpu.memory_space<hbm>>) target(%arg5 : memref<512xi32, #tpu.memory_space<vmem>>) target_semaphore(%run_scoped3A : memref<!tpu.dma_semaphore, #tpu.memory_space<semaphore_mem>>)
      %dma_wait3A_21 = tpu.memref_slice %arg3[%mul3A_2] : memref<16384xi32, #tpu.memory_space<hbm>> -> memref<512xi32, #tpu.memory_space<hbm>>
      %dma_wait3A_22 = tpu.memref_slice %arg3[%mul3A_2] : memref<16384xi32, #tpu.memory_space<hbm>> -> memref<512xi32, #tpu.memory_space<hbm>>
      tpu.wait_dma2 semaphore(%run_scoped3A : memref<!tpu.dma_semaphore, #tpu.memory_space<semaphore_mem>>) src(%dma_wait3A_22 : memref<512xi32, #tpu.memory_space<hbm>>) dst(%arg5 : memref<512xi32, #tpu.memory_space<vmem>>)
      tpu.yield
    }) : () -> ()
    %scan3A = arith.constant 0 : i32
    %scan3A_3 = arith.constant 32 : i32
    %scan3A_4 = arith.addi %scan3A, %scan3A_3 : i32
    %scan3A_5 = arith.constant 1 : i32
    scf.for %scan3A_19 = %scan3A to %scan3A_4 step %scan3A_5  : i32 {
      %mul3A_20 = arith.constant 1 : i32
      %mul3A_21 = arith.muli %scan3A_19, %mul3A_20 : i32
      %add3A_22 = arith.constant 0 : i32
      %add3A_23 = arith.addi %add3A_22, %mul3A_21 : i32
      %mul3A_24 = arith.constant 16 : i32
      %mul3A_25 = arith.muli %add3A_23, %mul3A_24 : i32
      %get3A = arith.index_cast %mul3A_25 : i32 to index
      %get3A_26 = tpu.vector_load %arg5[%get3A] {strides = array<i32>} : memref<512xi32, #tpu.memory_space<vmem>>, vector<16xi32>,
      %get3A_27 = vector.shape_cast %get3A_26 : vector<16xi32> to vector<16xi32>
      %slice3A = vector.extract_strided_slice %get3A_27 {offsets = [0], sizes = [1], strides = [1]} : vector<16xi32> to vector<1xi32>
      %squeeze3A = vector.extract %slice3A[0] : i32 from vector<1xi32>
      %add3A_28 = arith.constant 0 : i32
      %add3A_29 = arith.addi %mul3A_25, %add3A_28 : i32
      %dma_start3A_30 = arith.constant 0 : i32
      %dma_start3A_31 = tpu.memref_slice %arg6[%add3A_29, %dma_start3A_30] : memref<512x32xf32, #tpu.memory_space<vmem>> -> memref<1x32xf32, #tpu.memory_space<vmem>>
      %dma_start3A_32 = tpu.memref_squeeze %dma_start3A_31 : memref<1x32xf32, #tpu.memory_space<vmem>> -> memref<32xf32, #tpu.memory_space<vmem>>
      %dma_start3A_33 = arith.constant 0 : i32
      %dma_start3A_34 = tpu.memref_slice %arg2[%squeeze3A, %dma_start3A_33] : memref<1000000x32xf32, #tpu.memory_space<hbm>> -> memref<1x32xf32, #tpu.memory_space<hbm>>
      %dma_start3A_35 = tpu.memref_squeeze %dma_start3A_34 : memref<1x32xf32, #tpu.memory_space<hbm>> -> memref<32xf32, #tpu.memory_space<hbm>>
      %dma_start3A_36 = arith.constant 0 : i32
      %dma_start3A_37 = tpu.memref_slice %arg6[%add3A_29, %dma_start3A_36] : memref<512x32xf32, #tpu.memory_space<vmem>> -> memref<1x32xf32, #tpu.memory_space<vmem>>
      %dma_start3A_38 = tpu.memref_squeeze %dma_start3A_37 : memref<1x32xf32, #tpu.memory_space<vmem>> -> memref<32xf32, #tpu.memory_space<vmem>>
      %dma_start3A_39 = arith.constant 0 : i32
      %dma_start3A_40 = tpu.memref_slice %arg2[%squeeze3A, %dma_start3A_39] : memref<1000000x32xf32, #tpu.memory_space<hbm>> -> memref<1x32xf32, #tpu.memory_space<hbm>>
      %dma_start3A_41 = tpu.memref_squeeze %dma_start3A_40 : memref<1x32xf32, #tpu.memory_space<hbm>> -> memref<32xf32, #tpu.memory_space<hbm>>
      tpu.enqueue_dma source(%dma_start3A_41 : memref<32xf32, #tpu.memory_space<hbm>>) target(%dma_start3A_38 : memref<32xf32, #tpu.memory_space<vmem>>) target_semaphore(%arg7 : memref<!tpu.dma_semaphore, #tpu.memory_space<semaphore_mem>>)
      %slice3A_42 = vector.extract_strided_slice %get3A_27 {offsets = [1], sizes = [1], strides = [1]} : vector<16xi32> to vector<1xi32>
      %squeeze3A_43 = vector.extract %slice3A_42[0] : i32 from vector<1xi32>
      %add3A_44 = arith.constant 1 : i32
      %add3A_45 = arith.addi %mul3A_25, %add3A_44 : i32
      %dma_start3A_46 = arith.constant 0 : i32
      %dma_start3A_47 = tpu.memref_slice %arg6[%add3A_45, %dma_start3A_46] : memref<512x32xf32, #tpu.memory_space<vmem>> -> memref<1x32xf32, #tpu.memory_space<vmem>>
      %dma_start3A_48 = tpu.memref_squeeze %dma_start3A_47 : memref<1x32xf32, #tpu.memory_space<vmem>> -> memref<32xf32, #tpu.memory_space<vmem>>
      %dma_start3A_49 = arith.constant 0 : i32
      %dma_start3A_50 = tpu.memref_slice %arg2[%squeeze3A_43, %dma_start3A_49] : memref<1000000x32xf32, #tpu.memory_space<hbm>> -> memref<1x32xf32, #tpu.memory_space<hbm>>
      %dma_start3A_51 = tpu.memref_squeeze %dma_start3A_50 : memref<1x32xf32, #tpu.memory_space<hbm>> -> memref<32xf32, #tpu.memory_space<hbm>>
      %dma_start3A_52 = arith.constant 0 : i32
      %dma_start3A_53 = tpu.memref_slice %arg6[%add3A_45, %dma_start3A_52] : memref<512x32xf32, #tpu.memory_space<vmem>> -> memref<1x32xf32, #tpu.memory_space<vmem>>
      %dma_start3A_54 = tpu.memref_squeeze %dma_start3A_53 : memref<1x32xf32, #tpu.memory_space<vmem>> -> memref<32xf32, #tpu.memory_space<vmem>>
      %dma_start3A_55 = arith.constant 0 : i32
      %dma_start3A_56 = tpu.memref_slice %arg2[%squeeze3A_43, %dma_start3A_55] : memref<1000000x32xf32, #tpu.memory_space<hbm>> -> memref<1x32xf32, #tpu.memory_space<hbm>>
      %dma_start3A_57 = tpu.memref_squeeze %dma_start3A_56 : memref<1x32xf32, #tpu.memory_space<hbm>> -> memref<32xf32, #tpu.memory_space<hbm>>
      tpu.enqueue_dma source(%dma_start3A_57 : memref<32xf32, #tpu.memory_space<hbm>>) target(%dma_start3A_54 : memref<32xf32, #tpu.memory_space<vmem>>) target_semaphore(%arg7 : memref<!tpu.dma_semaphore, #tpu.memory_space<semaphore_mem>>)
      %slice3A_58 = vector.extract_strided_slice %get3A_27 {offsets = [2], sizes = [1], strides = [1]} : vector<16xi32> to vector<1xi32>
      %squeeze3A_59 = vector.extract %slice3A_58[0] : i32 from vector<1xi32>
      %add3A_60 = arith.constant 2 : i32
      %add3A_61 = arith.addi %mul3A_25, %add3A_60 : i32
      %dma_start3A_62 = arith.constant 0 : i32
      %dma_start3A_63 = tpu.memref_slice %arg6[%add3A_61, %dma_start3A_62] : memref<512x32xf32, #tpu.memory_space<vmem>> -> memref<1x32xf32, #tpu.memory_space<vmem>>
      %dma_start3A_64 = tpu.memref_squeeze %dma_start3A_63 : memref<1x32xf32, #tpu.memory_space<vmem>> -> memref<32xf32, #tpu.memory_space<vmem>>
      %dma_start3A_65 = arith.constant 0 : i32
      %dma_start3A_66 = tpu.memref_slice %arg2[%squeeze3A_59, %dma_start3A_65] : memref<1000000x32xf32, #tpu.memory_space<hbm>> -> memref<1x32xf32, #tpu.memory_space<hbm>>
      %dma_start3A_67 = tpu.memref_squeeze %dma_start3A_66 : memref<1x32xf32, #tpu.memory_space<hbm>> -> memref<32xf32, #tpu.memory_space<hbm>>
      %dma_start3A_68 = arith.constant 0 : i32
      %dma_start3A_69 = tpu.memref_slice %arg6[%add3A_61, %dma_start3A_68] : memref<512x32xf32, #tpu.memory_space<vmem>> -> memref<1x32xf32, #tpu.memory_space<vmem>>
      %dma_start3A_70 = tpu.memref_squeeze %dma_start3A_69 : memref<1x32xf32, #tpu.memory_space<vmem>> -> memref<32xf32, #tpu.memory_space<vmem>>
      %dma_start3A_71 = arith.constant 0 : i32
      %dma_start3A_72 = tpu.memref_slice %arg2[%squeeze3A_59, %dma_start3A_71] : memref<1000000x32xf32, #tpu.memory_space<hbm>> -> memref<1x32xf32, #tpu.memory_space<hbm>>
      %dma_start3A_73 = tpu.memref_squeeze %dma_start3A_72 : memref<1x32xf32, #tpu.memory_space<hbm>> -> memref<32xf32, #tpu.memory_space<hbm>>
      tpu.enqueue_dma source(%dma_start3A_73 : memref<32xf32, #tpu.memory_space<hbm>>) target(%dma_start3A_70 : memref<32xf32, #tpu.memory_space<vmem>>) target_semaphore(%arg7 : memref<!tpu.dma_semaphore, #tpu.memory_space<semaphore_mem>>)
      %slice3A_74 = vector.extract_strided_slice %get3A_27 {offsets = [3], sizes = [1], strides = [1]} : vector<16xi32> to vector<1xi32>
      %squeeze3A_75 = vector.extract %slice3A_74[0] : i32 from vector<1xi32>
      %add3A_76 = arith.constant 3 : i32
      %add3A_77 = arith.addi %mul3A_25, %add3A_76 : i32
      %dma_start3A_78 = arith.constant 0 : i32
      %dma_start3A_79 = tpu.memref_slice %arg6[%add3A_77, %dma_start3A_78] : memref<512x32xf32, #tpu.memory_space<vmem>> -> memref<1x32xf32, #tpu.memory_space<vmem>>
      %dma_start3A_80 = tpu.memref_squeeze %dma_start3A_79 : memref<1x32xf32, #tpu.memory_space<vmem>> -> memref<32xf32, #tpu.memory_space<vmem>>
      %dma_start3A_81 = arith.constant 0 : i32
      %dma_start3A_82 = tpu.memref_slice %arg2[%squeeze3A_75, %dma_start3A_81] : memref<1000000x32xf32, #tpu.memory_space<hbm>> -> memref<1x32xf32, #tpu.memory_space<hbm>>
      %dma_start3A_83 = tpu.memref_squeeze %dma_start3A_82 : memref<1x32xf32, #tpu.memory_space<hbm>> -> memref<32xf32, #tpu.memory_space<hbm>>
      %dma_start3A_84 = arith.constant 0 : i32
      %dma_start3A_85 = tpu.memref_slice %arg6[%add3A_77, %dma_start3A_84] : memref<512x32xf32, #tpu.memory_space<vmem>> -> memref<1x32xf32, #tpu.memory_space<vmem>>
      %dma_start3A_86 = tpu.memref_squeeze %dma_start3A_85 : memref<1x32xf32, #tpu.memory_space<vmem>> -> memref<32xf32, #tpu.memory_space<vmem>>
      %dma_start3A_87 = arith.constant 0 : i32
      %dma_start3A_88 = tpu.memref_slice %arg2[%squeeze3A_75, %dma_start3A_87] : memref<1000000x32xf32, #tpu.memory_space<hbm>> -> memref<1x32xf32, #tpu.memory_space<hbm>>
      %dma_start3A_89 = tpu.memref_squeeze %dma_start3A_88 : memref<1x32xf32, #tpu.memory_space<hbm>> -> memref<32xf32, #tpu.memory_space<hbm>>
      tpu.enqueue_dma source(%dma_start3A_89 : memref<32xf32, #tpu.memory_space<hbm>>) target(%dma_start3A_86 : memref<32xf32, #tpu.memory_space<vmem>>) target_semaphore(%arg7 : memref<!tpu.dma_semaphore, #tpu.memory_space<semaphore_mem>>)
      %slice3A_90 = vector.extract_strided_slice %get3A_27 {offsets = [4], sizes = [1], strides = [1]} : vector<16xi32> to vector<1xi32>
      %squeeze3A_91 = vector.extract %slice3A_90[0] : i32 from vector<1xi32>
      %add3A_92 = arith.constant 4 : i32
      %add3A_93 = arith.addi %mul3A_25, %add3A_92 : i32
      %dma_start3A_94 = arith.constant 0 : i32
      %dma_start3A_95 = tpu.memref_slice %arg6[%add3A_93, %dma_start3A_94] : memref<512x32xf32, #tpu.memory_space<vmem>> -> memref<1x32xf32, #tpu.memory_space<vmem>>
      %dma_start3A_96 = tpu.memref_squeeze %dma_start3A_95 : memref<1x32xf32, #tpu.memory_space<vmem>> -> memref<32xf32, #tpu.memory_space<vmem>>
      %dma_start3A_97 = arith.constant 0 : i32
      %dma_start3A_98 = tpu.memref_slice %arg2[%squeeze3A_91, %dma_start3A_97] : memref<1000000x32xf32, #tpu.memory_space<hbm>> -> memref<1x32xf32, #tpu.memory_space<hbm>>
      %dma_start3A_99 = tpu.memref_squeeze %dma_start3A_98 : memref<1x32xf32, #tpu.memory_space<hbm>> -> memref<32xf32, #tpu.memory_space<hbm>>
      %dma_start3A_100 = arith.constant 0 : i32
      %dma_start3A_101 = tpu.memref_slice %arg6[%add3A_93, %dma_start3A_100] : memref<512x32xf32, #tpu.memory_space<vmem>> -> memref<1x32xf32, #tpu.memory_space<vmem>>
      %dma_start3A_102 = tpu.memref_squeeze %dma_start3A_101 : memref<1x32xf32, #tpu.memory_space<vmem>> -> memref<32xf32, #tpu.memory_space<vmem>>
      %dma_start3A_103 = arith.constant 0 : i32
      %dma_start3A_104 = tpu.memref_slice %arg2[%squeeze3A_91, %dma_start3A_103] : memref<1000000x32xf32, #tpu.memory_space<hbm>> -> memref<1x32xf32, #tpu.memory_space<hbm>>
      %dma_start3A_105 = tpu.memref_squeeze %dma_start3A_104 : memref<1x32xf32, #tpu.memory_space<hbm>> -> memref<32xf32, #tpu.memory_space<hbm>>
      tpu.enqueue_dma source(%dma_start3A_105 : memref<32xf32, #tpu.memory_space<hbm>>) target(%dma_start3A_102 : memref<32xf32, #tpu.memory_space<vmem>>) target_semaphore(%arg7 : memref<!tpu.dma_semaphore, #tpu.memory_space<semaphore_mem>>)
      %slice3A_106 = vector.extract_strided_slice %get3A_27 {offsets = [5], sizes = [1], strides = [1]} : vector<16xi32> to vector<1xi32>
      %squeeze3A_107 = vector.extract %slice3A_106[0] : i32 from vector<1xi32>
      %add3A_108 = arith.constant 5 : i32
      %add3A_109 = arith.addi %mul3A_25, %add3A_108 : i32
      %dma_start3A_110 = arith.constant 0 : i32
      %dma_start3A_111 = tpu.memref_slice %arg6[%add3A_109, %dma_start3A_110] : memref<512x32xf32, #tpu.memory_space<vmem>> -> memref<1x32xf32, #tpu.memory_space<vmem>>
      %dma_start3A_112 = tpu.memref_squeeze %dma_start3A_111 : memref<1x32xf32, #tpu.memory_space<vmem>> -> memref<32xf32, #tpu.memory_space<vmem>>
      %dma_start3A_113 = arith.constant 0 : i32
      %dma_start3A_114 = tpu.memref_slice %arg2[%squeeze3A_107, %dma_start3A_113] : memref<1000000x32xf32, #tpu.memory_space<hbm>> -> memref<1x32xf32, #tpu.memory_space<hbm>>
      %dma_start3A_115 = tpu.memref_squeeze %dma_start3A_114 : memref<1x32xf32, #tpu.memory_space<hbm>> -> memref<32xf32, #tpu.memory_space<hbm>>
      %dma_start3A_116 = arith.constant 0 : i32
      %dma_start3A_117 = tpu.memref_slice %arg6[%add3A_109, %dma_start3A_116] : memref<512x32xf32, #tpu.memory_space<vmem>> -> memref<1x32xf32, #tpu.memory_space<vmem>>
      %dma_start3A_118 = tpu.memref_squeeze %dma_start3A_117 : memref<1x32xf32, #tpu.memory_space<vmem>> -> memref<32xf32, #tpu.memory_space<vmem>>
      %dma_start3A_119 = arith.constant 0 : i32
      %dma_start3A_120 = tpu.memref_slice %arg2[%squeeze3A_107, %dma_start3A_119] : memref<1000000x32xf32, #tpu.memory_space<hbm>> -> memref<1x32xf32, #tpu.memory_space<hbm>>
      %dma_start3A_121 = tpu.memref_squeeze %dma_start3A_120 : memref<1x32xf32, #tpu.memory_space<hbm>> -> memref<32xf32, #tpu.memory_space<hbm>>
      tpu.enqueue_dma source(%dma_start3A_121 : memref<32xf32, #tpu.memory_space<hbm>>) target(%dma_start3A_118 : memref<32xf32, #tpu.memory_space<vmem>>) target_semaphore(%arg7 : memref<!tpu.dma_semaphore, #tpu.memory_space<semaphore_mem>>)
      %slice3A_122 = vector.extract_strided_slice %get3A_27 {offsets = [6], sizes = [1], strides = [1]} : vector<16xi32> to vector<1xi32>
      %squeeze3A_123 = vector.extract %slice3A_122[0] : i32 from vector<1xi32>
      %add3A_124 = arith.constant 6 : i32
      %add3A_125 = arith.addi %mul3A_25, %add3A_124 : i32
      %dma_start3A_126 = arith.constant 0 : i32
      %dma_start3A_127 = tpu.memref_slice %arg6[%add3A_125, %dma_start3A_126] : memref<512x32xf32, #tpu.memory_space<vmem>> -> memref<1x32xf32, #tpu.memory_space<vmem>>
      %dma_start3A_128 = tpu.memref_squeeze %dma_start3A_127 : memref<1x32xf32, #tpu.memory_space<vmem>> -> memref<32xf32, #tpu.memory_space<vmem>>
      %dma_start3A_129 = arith.constant 0 : i32
      %dma_start3A_130 = tpu.memref_slice %arg2[%squeeze3A_123, %dma_start3A_129] : memref<1000000x32xf32, #tpu.memory_space<hbm>> -> memref<1x32xf32, #tpu.memory_space<hbm>>
      %dma_start3A_131 = tpu.memref_squeeze %dma_start3A_130 : memref<1x32xf32, #tpu.memory_space<hbm>> -> memref<32xf32, #tpu.memory_space<hbm>>
      %dma_start3A_132 = arith.constant 0 : i32
      %dma_start3A_133 = tpu.memref_slice %arg6[%add3A_125, %dma_start3A_132] : memref<512x32xf32, #tpu.memory_space<vmem>> -> memref<1x32xf32, #tpu.memory_space<vmem>>
      %dma_start3A_134 = tpu.memref_squeeze %dma_start3A_133 : memref<1x32xf32, #tpu.memory_space<vmem>> -> memref<32xf32, #tpu.memory_space<vmem>>
      %dma_start3A_135 = arith.constant 0 : i32
      %dma_start3A_136 = tpu.memref_slice %arg2[%squeeze3A_123, %dma_start3A_135] : memref<1000000x32xf32, #tpu.memory_space<hbm>> -> memref<1x32xf32, #tpu.memory_space<hbm>>
      %dma_start3A_137 = tpu.memref_squeeze %dma_start3A_136 : memref<1x32xf32, #tpu.memory_space<hbm>> -> memref<32xf32, #tpu.memory_space<hbm>>
      tpu.enqueue_dma source(%dma_start3A_137 : memref<32xf32, #tpu.memory_space<hbm>>) target(%dma_start3A_134 : memref<32xf32, #tpu.memory_space<vmem>>) target_semaphore(%arg7 : memref<!tpu.dma_semaphore, #tpu.memory_space<semaphore_mem>>)
      %slice3A_138 = vector.extract_strided_slice %get3A_27 {offsets = [7], sizes = [1], strides = [1]} : vector<16xi32> to vector<1xi32>
      %squeeze3A_139 = vector.extract %slice3A_138[0] : i32 from vector<1xi32>
      %add3A_140 = arith.constant 7 : i32
      %add3A_141 = arith.addi %mul3A_25, %add3A_140 : i32
      %dma_start3A_142 = arith.constant 0 : i32
      %dma_start3A_143 = tpu.memref_slice %arg6[%add3A_141, %dma_start3A_142] : memref<512x32xf32, #tpu.memory_space<vmem>> -> memref<1x32xf32, #tpu.memory_space<vmem>>
      %dma_start3A_144 = tpu.memref_squeeze %dma_start3A_143 : memref<1x32xf32, #tpu.memory_space<vmem>> -> memref<32xf32, #tpu.memory_space<vmem>>
      %dma_start3A_145 = arith.constant 0 : i32
      %dma_start3A_146 = tpu.memref_slice %arg2[%squeeze3A_139, %dma_start3A_145] : memref<1000000x32xf32, #tpu.memory_space<hbm>> -> memref<1x32xf32, #tpu.memory_space<hbm>>
      %dma_start3A_147 = tpu.memref_squeeze %dma_start3A_146 : memref<1x32xf32, #tpu.memory_space<hbm>> -> memref<32xf32, #tpu.memory_space<hbm>>
      %dma_start3A_148 = arith.constant 0 : i32
      %dma_start3A_149 = tpu.memref_slice %arg6[%add3A_141, %dma_start3A_148] : memref<512x32xf32, #tpu.memory_space<vmem>> -> memref<1x32xf32, #tpu.memory_space<vmem>>
      %dma_start3A_150 = tpu.memref_squeeze %dma_start3A_149 : memref<1x32xf32, #tpu.memory_space<vmem>> -> memref<32xf32, #tpu.memory_space<vmem>>
      %dma_start3A_151 = arith.constant 0 : i32
      %dma_start3A_152 = tpu.memref_slice %arg2[%squeeze3A_139, %dma_start3A_151] : memref<1000000x32xf32, #tpu.memory_space<hbm>> -> memref<1x32xf32, #tpu.memory_space<hbm>>
      %dma_start3A_153 = tpu.memref_squeeze %dma_start3A_152 : memref<1x32xf32, #tpu.memory_space<hbm>> -> memref<32xf32, #tpu.memory_space<hbm>>
      tpu.enqueue_dma source(%dma_start3A_153 : memref<32xf32, #tpu.memory_space<hbm>>) target(%dma_start3A_150 : memref<32xf32, #tpu.memory_space<vmem>>) target_semaphore(%arg7 : memref<!tpu.dma_semaphore, #tpu.memory_space<semaphore_mem>>)
      %slice3A_154 = vector.extract_strided_slice %get3A_27 {offsets = [8], sizes = [1], strides = [1]} : vector<16xi32> to vector<1xi32>
      %squeeze3A_155 = vector.extract %slice3A_154[0] : i32 from vector<1xi32>
      %add3A_156 = arith.constant 8 : i32
      %add3A_157 = arith.addi %mul3A_25, %add3A_156 : i32
      %dma_start3A_158 = arith.constant 0 : i32
      %dma_start3A_159 = tpu.memref_slice %arg6[%add3A_157, %dma_start3A_158] : memref<512x32xf32, #tpu.memory_space<vmem>> -> memref<1x32xf32, #tpu.memory_space<vmem>>
      %dma_start3A_160 = tpu.memref_squeeze %dma_start3A_159 : memref<1x32xf32, #tpu.memory_space<vmem>> -> memref<32xf32, #tpu.memory_space<vmem>>
      %dma_start3A_161 = arith.constant 0 : i32
      %dma_start3A_162 = tpu.memref_slice %arg2[%squeeze3A_155, %dma_start3A_161] : memref<1000000x32xf32, #tpu.memory_space<hbm>> -> memref<1x32xf32, #tpu.memory_space<hbm>>
      %dma_start3A_163 = tpu.memref_squeeze %dma_start3A_162 : memref<1x32xf32, #tpu.memory_space<hbm>> -> memref<32xf32, #tpu.memory_space<hbm>>
      %dma_start3A_164 = arith.constant 0 : i32
      %dma_start3A_165 = tpu.memref_slice %arg6[%add3A_157, %dma_start3A_164] : memref<512x32xf32, #tpu.memory_space<vmem>> -> memref<1x32xf32, #tpu.memory_space<vmem>>
      %dma_start3A_166 = tpu.memref_squeeze %dma_start3A_165 : memref<1x32xf32, #tpu.memory_space<vmem>> -> memref<32xf32, #tpu.memory_space<vmem>>
      %dma_start3A_167 = arith.constant 0 : i32
      %dma_start3A_168 = tpu.memref_slice %arg2[%squeeze3A_155, %dma_start3A_167] : memref<1000000x32xf32, #tpu.memory_space<hbm>> -> memref<1x32xf32, #tpu.memory_space<hbm>>
      %dma_start3A_169 = tpu.memref_squeeze %dma_start3A_168 : memref<1x32xf32, #tpu.memory_space<hbm>> -> memref<32xf32, #tpu.memory_space<hbm>>
      tpu.enqueue_dma source(%dma_start3A_169 : memref<32xf32, #tpu.memory_space<hbm>>) target(%dma_start3A_166 : memref<32xf32, #tpu.memory_space<vmem>>) target_semaphore(%arg7 : memref<!tpu.dma_semaphore, #tpu.memory_space<semaphore_mem>>)
      %slice3A_170 = vector.extract_strided_slice %get3A_27 {offsets = [9], sizes = [1], strides = [1]} : vector<16xi32> to vector<1xi32>
      %squeeze3A_171 = vector.extract %slice3A_170[0] : i32 from vector<1xi32>
      %add3A_172 = arith.constant 9 : i32
      %add3A_173 = arith.addi %mul3A_25, %add3A_172 : i32
      %dma_start3A_174 = arith.constant 0 : i32
      %dma_start3A_175 = tpu.memref_slice %arg6[%add3A_173, %dma_start3A_174] : memref<512x32xf32, #tpu.memory_space<vmem>> -> memref<1x32xf32, #tpu.memory_space<vmem>>
      %dma_start3A_176 = tpu.memref_squeeze %dma_start3A_175 : memref<1x32xf32, #tpu.memory_space<vmem>> -> memref<32xf32, #tpu.memory_space<vmem>>
      %dma_start3A_177 = arith.constant 0 : i32
      %dma_start3A_178 = tpu.memref_slice %arg2[%squeeze3A_171, %dma_start3A_177] : memref<1000000x32xf32, #tpu.memory_space<hbm>> -> memref<1x32xf32, #tpu.memory_space<hbm>>
      %dma_start3A_179 = tpu.memref_squeeze %dma_start3A_178 : memref<1x32xf32, #tpu.memory_space<hbm>> -> memref<32xf32, #tpu.memory_space<hbm>>
      %dma_start3A_180 = arith.constant 0 : i32
      %dma_start3A_181 = tpu.memref_slice %arg6[%add3A_173, %dma_start3A_180] : memref<512x32xf32, #tpu.memory_space<vmem>> -> memref<1x32xf32, #tpu.memory_space<vmem>>
      %dma_start3A_182 = tpu.memref_squeeze %dma_start3A_181 : memref<1x32xf32, #tpu.memory_space<vmem>> -> memref<32xf32, #tpu.memory_space<vmem>>
      %dma_start3A_183 = arith.constant 0 : i32
      %dma_start3A_184 = tpu.memref_slice %arg2[%squeeze3A_171, %dma_start3A_183] : memref<1000000x32xf32, #tpu.memory_space<hbm>> -> memref<1x32xf32, #tpu.memory_space<hbm>>
      %dma_start3A_185 = tpu.memref_squeeze %dma_start3A_184 : memref<1x32xf32, #tpu.memory_space<hbm>> -> memref<32xf32, #tpu.memory_space<hbm>>
      tpu.enqueue_dma source(%dma_start3A_185 : memref<32xf32, #tpu.memory_space<hbm>>) target(%dma_start3A_182 : memref<32xf32, #tpu.memory_space<vmem>>) target_semaphore(%arg7 : memref<!tpu.dma_semaphore, #tpu.memory_space<semaphore_mem>>)
      %slice3A_186 = vector.extract_strided_slice %get3A_27 {offsets = [10], sizes = [1], strides = [1]} : vector<16xi32> to vector<1xi32>
      %squeeze3A_187 = vector.extract %slice3A_186[0] : i32 from vector<1xi32>
      %add3A_188 = arith.constant 10 : i32
      %add3A_189 = arith.addi %mul3A_25, %add3A_188 : i32
      %dma_start3A_190 = arith.constant 0 : i32
      %dma_start3A_191 = tpu.memref_slice %arg6[%add3A_189, %dma_start3A_190] : memref<512x32xf32, #tpu.memory_space<vmem>> -> memref<1x32xf32, #tpu.memory_space<vmem>>
      %dma_start3A_192 = tpu.memref_squeeze %dma_start3A_191 : memref<1x32xf32, #tpu.memory_space<vmem>> -> memref<32xf32, #tpu.memory_space<vmem>>
      %dma_start3A_193 = arith.constant 0 : i32
      %dma_start3A_194 = tpu.memref_slice %arg2[%squeeze3A_187, %dma_start3A_193] : memref<1000000x32xf32, #tpu.memory_space<hbm>> -> memref<1x32xf32, #tpu.memory_space<hbm>>
      %dma_start3A_195 = tpu.memref_squeeze %dma_start3A_194 : memref<1x32xf32, #tpu.memory_space<hbm>> -> memref<32xf32, #tpu.memory_space<hbm>>
      %dma_start3A_196 = arith.constant 0 : i32
      %dma_start3A_197 = tpu.memref_slice %arg6[%add3A_189, %dma_start3A_196] : memref<512x32xf32, #tpu.memory_space<vmem>> -> memref<1x32xf32, #tpu.memory_space<vmem>>
      %dma_start3A_198 = tpu.memref_squeeze %dma_start3A_197 : memref<1x32xf32, #tpu.memory_space<vmem>> -> memref<32xf32, #tpu.memory_space<vmem>>
      %dma_start3A_199 = arith.constant 0 : i32
      %dma_start3A_200 = tpu.memref_slice %arg2[%squeeze3A_187, %dma_start3A_199] : memref<1000000x32xf32, #tpu.memory_space<hbm>> -> memref<1x32xf32, #tpu.memory_space<hbm>>
      %dma_start3A_201 = tpu.memref_squeeze %dma_start3A_200 : memref<1x32xf32, #tpu.memory_space<hbm>> -> memref<32xf32, #tpu.memory_space<hbm>>
      tpu.enqueue_dma source(%dma_start3A_201 : memref<32xf32, #tpu.memory_space<hbm>>) target(%dma_start3A_198 : memref<32xf32, #tpu.memory_space<vmem>>) target_semaphore(%arg7 : memref<!tpu.dma_semaphore, #tpu.memory_space<semaphore_mem>>)
      %slice3A_202 = vector.extract_strided_slice %get3A_27 {offsets = [11], sizes = [1], strides = [1]} : vector<16xi32> to vector<1xi32>
      %squeeze3A_203 = vector.extract %slice3A_202[0] : i32 from vector<1xi32>
      %add3A_204 = arith.constant 11 : i32
      %add3A_205 = arith.addi %mul3A_25, %add3A_204 : i32
      %dma_start3A_206 = arith.constant 0 : i32
      %dma_start3A_207 = tpu.memref_slice %arg6[%add3A_205, %dma_start3A_206] : memref<512x32xf32, #tpu.memory_space<vmem>> -> memref<1x32xf32, #tpu.memory_space<vmem>>
      %dma_start3A_208 = tpu.memref_squeeze %dma_start3A_207 : memref<1x32xf32, #tpu.memory_space<vmem>> -> memref<32xf32, #tpu.memory_space<vmem>>
      %dma_start3A_209 = arith.constant 0 : i32
      %dma_start3A_210 = tpu.memref_slice %arg2[%squeeze3A_203, %dma_start3A_209] : memref<1000000x32xf32, #tpu.memory_space<hbm>> -> memref<1x32xf32, #tpu.memory_space<hbm>>
      %dma_start3A_211 = tpu.memref_squeeze %dma_start3A_210 : memref<1x32xf32, #tpu.memory_space<hbm>> -> memref<32xf32, #tpu.memory_space<hbm>>
      %dma_start3A_212 = arith.constant 0 : i32
      %dma_start3A_213 = tpu.memref_slice %arg6[%add3A_205, %dma_start3A_212] : memref<512x32xf32, #tpu.memory_space<vmem>> -> memref<1x32xf32, #tpu.memory_space<vmem>>
      %dma_start3A_214 = tpu.memref_squeeze %dma_start3A_213 : memref<1x32xf32, #tpu.memory_space<vmem>> -> memref<32xf32, #tpu.memory_space<vmem>>
      %dma_start3A_215 = arith.constant 0 : i32
      %dma_start3A_216 = tpu.memref_slice %arg2[%squeeze3A_203, %dma_start3A_215] : memref<1000000x32xf32, #tpu.memory_space<hbm>> -> memref<1x32xf32, #tpu.memory_space<hbm>>
      %dma_start3A_217 = tpu.memref_squeeze %dma_start3A_216 : memref<1x32xf32, #tpu.memory_space<hbm>> -> memref<32xf32, #tpu.memory_space<hbm>>
      tpu.enqueue_dma source(%dma_start3A_217 : memref<32xf32, #tpu.memory_space<hbm>>) target(%dma_start3A_214 : memref<32xf32, #tpu.memory_space<vmem>>) target_semaphore(%arg7 : memref<!tpu.dma_semaphore, #tpu.memory_space<semaphore_mem>>)
      %slice3A_218 = vector.extract_strided_slice %get3A_27 {offsets = [12], sizes = [1], strides = [1]} : vector<16xi32> to vector<1xi32>
      %squeeze3A_219 = vector.extract %slice3A_218[0] : i32 from vector<1xi32>
      %add3A_220 = arith.constant 12 : i32
      %add3A_221 = arith.addi %mul3A_25, %add3A_220 : i32
      %dma_start3A_222 = arith.constant 0 : i32
      %dma_start3A_223 = tpu.memref_slice %arg6[%add3A_221, %dma_start3A_222] : memref<512x32xf32, #tpu.memory_space<vmem>> -> memref<1x32xf32, #tpu.memory_space<vmem>>
      %dma_start3A_224 = tpu.memref_squeeze %dma_start3A_223 : memref<1x32xf32, #tpu.memory_space<vmem>> -> memref<32xf32, #tpu.memory_space<vmem>>
      %dma_start3A_225 = arith.constant 0 : i32
      %dma_start3A_226 = tpu.memref_slice %arg2[%squeeze3A_219, %dma_start3A_225] : memref<1000000x32xf32, #tpu.memory_space<hbm>> -> memref<1x32xf32, #tpu.memory_space<hbm>>
      %dma_start3A_227 = tpu.memref_squeeze %dma_start3A_226 : memref<1x32xf32, #tpu.memory_space<hbm>> -> memref<32xf32, #tpu.memory_space<hbm>>
      %dma_start3A_228 = arith.constant 0 : i32
      %dma_start3A_229 = tpu.memref_slice %arg6[%add3A_221, %dma_start3A_228] : memref<512x32xf32, #tpu.memory_space<vmem>> -> memref<1x32xf32, #tpu.memory_space<vmem>>
      %dma_start3A_230 = tpu.memref_squeeze %dma_start3A_229 : memref<1x32xf32, #tpu.memory_space<vmem>> -> memref<32xf32, #tpu.memory_space<vmem>>
      %dma_start3A_231 = arith.constant 0 : i32
      %dma_start3A_232 = tpu.memref_slice %arg2[%squeeze3A_219, %dma_start3A_231] : memref<1000000x32xf32, #tpu.memory_space<hbm>> -> memref<1x32xf32, #tpu.memory_space<hbm>>
      %dma_start3A_233 = tpu.memref_squeeze %dma_start3A_232 : memref<1x32xf32, #tpu.memory_space<hbm>> -> memref<32xf32, #tpu.memory_space<hbm>>
      tpu.enqueue_dma source(%dma_start3A_233 : memref<32xf32, #tpu.memory_space<hbm>>) target(%dma_start3A_230 : memref<32xf32, #tpu.memory_space<vmem>>) target_semaphore(%arg7 : memref<!tpu.dma_semaphore, #tpu.memory_space<semaphore_mem>>)
      %slice3A_234 = vector.extract_strided_slice %get3A_27 {offsets = [13], sizes = [1], strides = [1]} : vector<16xi32> to vector<1xi32>
      %squeeze3A_235 = vector.extract %slice3A_234[0] : i32 from vector<1xi32>
      %add3A_236 = arith.constant 13 : i32
      %add3A_237 = arith.addi %mul3A_25, %add3A_236 : i32
      %dma_start3A_238 = arith.constant 0 : i32
      %dma_start3A_239 = tpu.memref_slice %arg6[%add3A_237, %dma_start3A_238] : memref<512x32xf32, #tpu.memory_space<vmem>> -> memref<1x32xf32, #tpu.memory_space<vmem>>
      %dma_start3A_240 = tpu.memref_squeeze %dma_start3A_239 : memref<1x32xf32, #tpu.memory_space<vmem>> -> memref<32xf32, #tpu.memory_space<vmem>>
      %dma_start3A_241 = arith.constant 0 : i32
      %dma_start3A_242 = tpu.memref_slice %arg2[%squeeze3A_235, %dma_start3A_241] : memref<1000000x32xf32, #tpu.memory_space<hbm>> -> memref<1x32xf32, #tpu.memory_space<hbm>>
      %dma_start3A_243 = tpu.memref_squeeze %dma_start3A_242 : memref<1x32xf32, #tpu.memory_space<hbm>> -> memref<32xf32, #tpu.memory_space<hbm>>
      %dma_start3A_244 = arith.constant 0 : i32
      %dma_start3A_245 = tpu.memref_slice %arg6[%add3A_237, %dma_start3A_244] : memref<512x32xf32, #tpu.memory_space<vmem>> -> memref<1x32xf32, #tpu.memory_space<vmem>>
      %dma_start3A_246 = tpu.memref_squeeze %dma_start3A_245 : memref<1x32xf32, #tpu.memory_space<vmem>> -> memref<32xf32, #tpu.memory_space<vmem>>
      %dma_start3A_247 = arith.constant 0 : i32
      %dma_start3A_248 = tpu.memref_slice %arg2[%squeeze3A_235, %dma_start3A_247] : memref<1000000x32xf32, #tpu.memory_space<hbm>> -> memref<1x32xf32, #tpu.memory_space<hbm>>
      %dma_start3A_249 = tpu.memref_squeeze %dma_start3A_248 : memref<1x32xf32, #tpu.memory_space<hbm>> -> memref<32xf32, #tpu.memory_space<hbm>>
      tpu.enqueue_dma source(%dma_start3A_249 : memref<32xf32, #tpu.memory_space<hbm>>) target(%dma_start3A_246 : memref<32xf32, #tpu.memory_space<vmem>>) target_semaphore(%arg7 : memref<!tpu.dma_semaphore, #tpu.memory_space<semaphore_mem>>)
      %slice3A_250 = vector.extract_strided_slice %get3A_27 {offsets = [14], sizes = [1], strides = [1]} : vector<16xi32> to vector<1xi32>
      %squeeze3A_251 = vector.extract %slice3A_250[0] : i32 from vector<1xi32>
      %add3A_252 = arith.constant 14 : i32
      %add3A_253 = arith.addi %mul3A_25, %add3A_252 : i32
      %dma_start3A_254 = arith.constant 0 : i32
      %dma_start3A_255 = tpu.memref_slice %arg6[%add3A_253, %dma_start3A_254] : memref<512x32xf32, #tpu.memory_space<vmem>> -> memref<1x32xf32, #tpu.memory_space<vmem>>
      %dma_start3A_256 = tpu.memref_squeeze %dma_start3A_255 : memref<1x32xf32, #tpu.memory_space<vmem>> -> memref<32xf32, #tpu.memory_space<vmem>>
      %dma_start3A_257 = arith.constant 0 : i32
      %dma_start3A_258 = tpu.memref_slice %arg2[%squeeze3A_251, %dma_start3A_257] : memref<1000000x32xf32, #tpu.memory_space<hbm>> -> memref<1x32xf32, #tpu.memory_space<hbm>>
      %dma_start3A_259 = tpu.memref_squeeze %dma_start3A_258 : memref<1x32xf32, #tpu.memory_space<hbm>> -> memref<32xf32, #tpu.memory_space<hbm>>
      %dma_start3A_260 = arith.constant 0 : i32
      %dma_start3A_261 = tpu.memref_slice %arg6[%add3A_253, %dma_start3A_260] : memref<512x32xf32, #tpu.memory_space<vmem>> -> memref<1x32xf32, #tpu.memory_space<vmem>>
      %dma_start3A_262 = tpu.memref_squeeze %dma_start3A_261 : memref<1x32xf32, #tpu.memory_space<vmem>> -> memref<32xf32, #tpu.memory_space<vmem>>
      %dma_start3A_263 = arith.constant 0 : i32
      %dma_start3A_264 = tpu.memref_slice %arg2[%squeeze3A_251, %dma_start3A_263] : memref<1000000x32xf32, #tpu.memory_space<hbm>> -> memref<1x32xf32, #tpu.memory_space<hbm>>
      %dma_start3A_265 = tpu.memref_squeeze %dma_start3A_264 : memref<1x32xf32, #tpu.memory_space<hbm>> -> memref<32xf32, #tpu.memory_space<hbm>>
      tpu.enqueue_dma source(%dma_start3A_265 : memref<32xf32, #tpu.memory_space<hbm>>) target(%dma_start3A_262 : memref<32xf32, #tpu.memory_space<vmem>>) target_semaphore(%arg7 : memref<!tpu.dma_semaphore, #tpu.memory_space<semaphore_mem>>)
      %slice3A_266 = vector.extract_strided_slice %get3A_27 {offsets = [15], sizes = [1], strides = [1]} : vector<16xi32> to vector<1xi32>
      %squeeze3A_267 = vector.extract %slice3A_266[0] : i32 from vector<1xi32>
      %add3A_268 = arith.constant 15 : i32
      %add3A_269 = arith.addi %mul3A_25, %add3A_268 : i32
      %dma_start3A_270 = arith.constant 0 : i32
      %dma_start3A_271 = tpu.memref_slice %arg6[%add3A_269, %dma_start3A_270] : memref<512x32xf32, #tpu.memory_space<vmem>> -> memref<1x32xf32, #tpu.memory_space<vmem>>
      %dma_start3A_272 = tpu.memref_squeeze %dma_start3A_271 : memref<1x32xf32, #tpu.memory_space<vmem>> -> memref<32xf32, #tpu.memory_space<vmem>>
      %dma_start3A_273 = arith.constant 0 : i32
      %dma_start3A_274 = tpu.memref_slice %arg2[%squeeze3A_267, %dma_start3A_273] : memref<1000000x32xf32, #tpu.memory_space<hbm>> -> memref<1x32xf32, #tpu.memory_space<hbm>>
      %dma_start3A_275 = tpu.memref_squeeze %dma_start3A_274 : memref<1x32xf32, #tpu.memory_space<hbm>> -> memref<32xf32, #tpu.memory_space<hbm>>
      %dma_start3A_276 = arith.constant 0 : i32
      %dma_start3A_277 = tpu.memref_slice %arg6[%add3A_269, %dma_start3A_276] : memref<512x32xf32, #tpu.memory_space<vmem>> -> memref<1x32xf32, #tpu.memory_space<vmem>>
      %dma_start3A_278 = tpu.memref_squeeze %dma_start3A_277 : memref<1x32xf32, #tpu.memory_space<vmem>> -> memref<32xf32, #tpu.memory_space<vmem>>
      %dma_start3A_279 = arith.constant 0 : i32
      %dma_start3A_280 = tpu.memref_slice %arg2[%squeeze3A_267, %dma_start3A_279] : memref<1000000x32xf32, #tpu.memory_space<hbm>> -> memref<1x32xf32, #tpu.memory_space<hbm>>
      %dma_start3A_281 = tpu.memref_squeeze %dma_start3A_280 : memref<1x32xf32, #tpu.memory_space<hbm>> -> memref<32xf32, #tpu.memory_space<hbm>>
      tpu.enqueue_dma source(%dma_start3A_281 : memref<32xf32, #tpu.memory_space<hbm>>) target(%dma_start3A_278 : memref<32xf32, #tpu.memory_space<vmem>>) target_semaphore(%arg7 : memref<!tpu.dma_semaphore, #tpu.memory_space<semaphore_mem>>)
    }
    %scan3A_6 = arith.constant 32 : i32
    %dma_wait3A = arith.constant 0 : i32
    %dma_wait3A_7 = arith.constant 0 : i32
    %dma_wait3A_8 = tpu.memref_slice %arg2[%dma_wait3A, %dma_wait3A_7] : memref<1000000x32xf32, #tpu.memory_space<hbm>> -> memref<512x32xf32, #tpu.memory_space<hbm>>
    %dma_wait3A_9 = arith.constant 0 : i32
    %dma_wait3A_10 = arith.constant 0 : i32
    %dma_wait3A_11 = tpu.memref_slice %arg2[%dma_wait3A_9, %dma_wait3A_10] : memref<1000000x32xf32, #tpu.memory_space<hbm>> -> memref<512x32xf32, #tpu.memory_space<hbm>>
    tpu.wait_dma2 semaphore(%arg7 : memref<!tpu.dma_semaphore, #tpu.memory_space<semaphore_mem>>) src(%dma_wait3A_11 : memref<512x32xf32, #tpu.memory_space<hbm>>) dst(%arg6 : memref<512x32xf32, #tpu.memory_space<vmem>>)
    %dma_start3A = arith.constant 0 : i32
    %dma_start3A_12 = tpu.memref_slice %arg4[%mul3A_2, %dma_start3A] : memref<16384x32xf32, #tpu.memory_space<hbm>> -> memref<512x32xf32, #tpu.memory_space<hbm>>
    %dma_start3A_13 = arith.constant 0 : i32
    %dma_start3A_14 = tpu.memref_slice %arg4[%mul3A_2, %dma_start3A_13] : memref<16384x32xf32, #tpu.memory_space<hbm>> -> memref<512x32xf32, #tpu.memory_space<hbm>>
    tpu.enqueue_dma source(%arg6 : memref<512x32xf32, #tpu.memory_space<vmem>>) target(%dma_start3A_14 : memref<512x32xf32, #tpu.memory_space<hbm>>) target_semaphore(%arg8 : memref<!tpu.dma_semaphore, #tpu.memory_space<semaphore_mem>>)
    %dma_wait3A_15 = arith.constant 0 : i32
    %dma_wait3A_16 = tpu.memref_slice %arg4[%mul3A_2, %dma_wait3A_15] : memref<16384x32xf32, #tpu.memory_space<hbm>> -> memref<512x32xf32, #tpu.memory_space<hbm>>
    %dma_wait3A_17 = arith.constant 0 : i32
    %dma_wait3A_18 = tpu.memref_slice %arg4[%mul3A_2, %dma_wait3A_17] : memref<16384x32xf32, #tpu.memory_space<hbm>> -> memref<512x32xf32, #tpu.memory_space<hbm>>
    tpu.wait_dma2 semaphore(%arg8 : memref<!tpu.dma_semaphore, #tpu.memory_space<semaphore_mem>>) src(%arg6 : memref<512x32xf32, #tpu.memory_space<vmem>>) dst(%dma_wait3A_18 : memref<512x32xf32, #tpu.memory_space<hbm>>)
    return
  }
}

#map = affine_map<(d0, d1) -> (0, 0)>
#map1 = affine_map<(d0, d1) -> (0)>
module attributes {stable_mosaic.version = 14 : i64} {
  func.func @gather_kernel(%arg0: i32, %arg1: i32, %arg2: memref<1000x32xf32, #tpu.memory_space<hbm>>, %arg3: memref<200x32xf32, #tpu.memory_space<hbm>>, %arg4: memref<16384xi32, #tpu.memory_space<hbm>>, %arg5: memref<16384xi32, #tpu.memory_space<hbm>>, %arg6: memref<16384x32xf32, #tpu.memory_space<hbm>>, %arg7: memref<16384x32xf32, #tpu.memory_space<hbm>>, %arg8: memref<512xi32, #tpu.memory_space<vmem>>, %arg9: memref<512xi32, #tpu.memory_space<vmem>>, %arg10: memref<512x32xf32, #tpu.memory_space<vmem>>, %arg11: memref<!tpu.dma_semaphore, #tpu.memory_space<semaphore_mem>>, %arg12: memref<!tpu.dma_semaphore, #tpu.memory_space<semaphore_mem>>) attributes {dimension_semantics = [#tpu.dimension_semantics<core_parallel>, #tpu.dimension_semantics<subcore_parallel>], iteration_bounds = array<i64: 2, 16>, scalar_prefetch = 0 : i64, scratch_operands = 5 : i64, tpu.core_type = #tpu.core_type<sc_vector_subcore>, window_params = [{transform_indices = #map}, {transform_indices = #map}, {transform_indices = #map1}, {transform_indices = #map1}, {transform_indices = #map}, {transform_indices = #map}]} {
    %mul3A = arith.constant 2 : i32
    %mul3A_0 = arith.muli %arg1, %mul3A : i32
    %add3A = arith.addi %mul3A_0, %arg0 : i32
    %mul3A_1 = arith.constant 512 : i32
    %mul3A_2 = arith.muli %add3A, %mul3A_1 : i32
    "tpu.region"() ({
      %run_scoped3A = tpu.sem_alloc : memref<!tpu.dma_semaphore, #tpu.memory_space<semaphore_mem>>
      %dma_start3A_38 = tpu.memref_slice %arg4[%mul3A_2] : memref<16384xi32, #tpu.memory_space<hbm>> -> memref<512xi32, #tpu.memory_space<hbm>>
      %dma_start3A_39 = tpu.memref_slice %arg4[%mul3A_2] : memref<16384xi32, #tpu.memory_space<hbm>> -> memref<512xi32, #tpu.memory_space<hbm>>
      tpu.enqueue_dma source(%dma_start3A_39 : memref<512xi32, #tpu.memory_space<hbm>>) target(%arg8 : memref<512xi32, #tpu.memory_space<vmem>>) target_semaphore(%run_scoped3A : memref<!tpu.dma_semaphore, #tpu.memory_space<semaphore_mem>>)
      %dma_wait3A_40 = tpu.memref_slice %arg4[%mul3A_2] : memref<16384xi32, #tpu.memory_space<hbm>> -> memref<512xi32, #tpu.memory_space<hbm>>
      %dma_wait3A_41 = tpu.memref_slice %arg4[%mul3A_2] : memref<16384xi32, #tpu.memory_space<hbm>> -> memref<512xi32, #tpu.memory_space<hbm>>
      tpu.wait_dma2 semaphore(%run_scoped3A : memref<!tpu.dma_semaphore, #tpu.memory_space<semaphore_mem>>) src(%dma_wait3A_41 : memref<512xi32, #tpu.memory_space<hbm>>) dst(%arg8 : memref<512xi32, #tpu.memory_space<vmem>>)
      tpu.yield
    }) : () -> ()
    "tpu.region"() ({
      %run_scoped3A = tpu.sem_alloc : memref<!tpu.dma_semaphore, #tpu.memory_space<semaphore_mem>>
      %dma_start3A_38 = tpu.memref_slice %arg5[%mul3A_2] : memref<16384xi32, #tpu.memory_space<hbm>> -> memref<512xi32, #tpu.memory_space<hbm>>
      %dma_start3A_39 = tpu.memref_slice %arg5[%mul3A_2] : memref<16384xi32, #tpu.memory_space<hbm>> -> memref<512xi32, #tpu.memory_space<hbm>>
      tpu.enqueue_dma source(%dma_start3A_39 : memref<512xi32, #tpu.memory_space<hbm>>) target(%arg9 : memref<512xi32, #tpu.memory_space<vmem>>) target_semaphore(%run_scoped3A : memref<!tpu.dma_semaphore, #tpu.memory_space<semaphore_mem>>)
      %dma_wait3A_40 = tpu.memref_slice %arg5[%mul3A_2] : memref<16384xi32, #tpu.memory_space<hbm>> -> memref<512xi32, #tpu.memory_space<hbm>>
      %dma_wait3A_41 = tpu.memref_slice %arg5[%mul3A_2] : memref<16384xi32, #tpu.memory_space<hbm>> -> memref<512xi32, #tpu.memory_space<hbm>>
      tpu.wait_dma2 semaphore(%run_scoped3A : memref<!tpu.dma_semaphore, #tpu.memory_space<semaphore_mem>>) src(%dma_wait3A_41 : memref<512xi32, #tpu.memory_space<hbm>>) dst(%arg9 : memref<512xi32, #tpu.memory_space<vmem>>)
      tpu.yield
    }) : () -> ()
    %scan3A = arith.constant 0 : i32
    %scan3A_3 = arith.constant 32 : i32
    %scan3A_4 = arith.addi %scan3A, %scan3A_3 : i32
    %scan3A_5 = arith.constant 1 : i32
    scf.for %scan3A_38 = %scan3A to %scan3A_4 step %scan3A_5  : i32 {
      %mul3A_39 = arith.constant 1 : i32
      %mul3A_40 = arith.muli %scan3A_38, %mul3A_39 : i32
      %add3A_41 = arith.constant 0 : i32
      %add3A_42 = arith.addi %add3A_41, %mul3A_40 : i32
      %mul3A_43 = arith.constant 16 : i32
      %mul3A_44 = arith.muli %add3A_42, %mul3A_43 : i32
      %get3A = arith.index_cast %mul3A_44 : i32 to index
      %get3A_45 = tpu.vector_load %arg8[%get3A] {strides = array<i32>} : memref<512xi32, #tpu.memory_space<vmem>>, vector<16xi32>,
      %get3A_46 = vector.shape_cast %get3A_45 : vector<16xi32> to vector<16xi32>
      %slice3A = vector.extract_strided_slice %get3A_46 {offsets = [0], sizes = [1], strides = [1]} : vector<16xi32> to vector<1xi32>
      %squeeze3A = vector.extract %slice3A[0] : i32 from vector<1xi32>
      %add3A_47 = arith.constant 0 : i32
      %add3A_48 = arith.addi %mul3A_44, %add3A_47 : i32
      %dma_start3A_49 = arith.constant 0 : i32
      %dma_start3A_50 = tpu.memref_slice %arg10[%add3A_48, %dma_start3A_49] : memref<512x32xf32, #tpu.memory_space<vmem>> -> memref<1x32xf32, #tpu.memory_space<vmem>>
      %dma_start3A_51 = tpu.memref_squeeze %dma_start3A_50 : memref<1x32xf32, #tpu.memory_space<vmem>> -> memref<32xf32, #tpu.memory_space<vmem>>
      %dma_start3A_52 = arith.constant 0 : i32
      %dma_start3A_53 = tpu.memref_slice %arg2[%squeeze3A, %dma_start3A_52] : memref<1000x32xf32, #tpu.memory_space<hbm>> -> memref<1x32xf32, #tpu.memory_space<hbm>>
      %dma_start3A_54 = tpu.memref_squeeze %dma_start3A_53 : memref<1x32xf32, #tpu.memory_space<hbm>> -> memref<32xf32, #tpu.memory_space<hbm>>
      %dma_start3A_55 = arith.constant 0 : i32
      %dma_start3A_56 = tpu.memref_slice %arg10[%add3A_48, %dma_start3A_55] : memref<512x32xf32, #tpu.memory_space<vmem>> -> memref<1x32xf32, #tpu.memory_space<vmem>>
      %dma_start3A_57 = tpu.memref_squeeze %dma_start3A_56 : memref<1x32xf32, #tpu.memory_space<vmem>> -> memref<32xf32, #tpu.memory_space<vmem>>
      %dma_start3A_58 = arith.constant 0 : i32
      %dma_start3A_59 = tpu.memref_slice %arg2[%squeeze3A, %dma_start3A_58] : memref<1000x32xf32, #tpu.memory_space<hbm>> -> memref<1x32xf32, #tpu.memory_space<hbm>>
      %dma_start3A_60 = tpu.memref_squeeze %dma_start3A_59 : memref<1x32xf32, #tpu.memory_space<hbm>> -> memref<32xf32, #tpu.memory_space<hbm>>
      tpu.enqueue_dma source(%dma_start3A_60 : memref<32xf32, #tpu.memory_space<hbm>>) target(%dma_start3A_57 : memref<32xf32, #tpu.memory_space<vmem>>) target_semaphore(%arg11 : memref<!tpu.dma_semaphore, #tpu.memory_space<semaphore_mem>>)
      %slice3A_61 = vector.extract_strided_slice %get3A_46 {offsets = [1], sizes = [1], strides = [1]} : vector<16xi32> to vector<1xi32>
      %squeeze3A_62 = vector.extract %slice3A_61[0] : i32 from vector<1xi32>
      %add3A_63 = arith.constant 1 : i32
      %add3A_64 = arith.addi %mul3A_44, %add3A_63 : i32
      %dma_start3A_65 = arith.constant 0 : i32
      %dma_start3A_66 = tpu.memref_slice %arg10[%add3A_64, %dma_start3A_65] : memref<512x32xf32, #tpu.memory_space<vmem>> -> memref<1x32xf32, #tpu.memory_space<vmem>>
      %dma_start3A_67 = tpu.memref_squeeze %dma_start3A_66 : memref<1x32xf32, #tpu.memory_space<vmem>> -> memref<32xf32, #tpu.memory_space<vmem>>
      %dma_start3A_68 = arith.constant 0 : i32
      %dma_start3A_69 = tpu.memref_slice %arg2[%squeeze3A_62, %dma_start3A_68] : memref<1000x32xf32, #tpu.memory_space<hbm>> -> memref<1x32xf32, #tpu.memory_space<hbm>>
      %dma_start3A_70 = tpu.memref_squeeze %dma_start3A_69 : memref<1x32xf32, #tpu.memory_space<hbm>> -> memref<32xf32, #tpu.memory_space<hbm>>
      %dma_start3A_71 = arith.constant 0 : i32
      %dma_start3A_72 = tpu.memref_slice %arg10[%add3A_64, %dma_start3A_71] : memref<512x32xf32, #tpu.memory_space<vmem>> -> memref<1x32xf32, #tpu.memory_space<vmem>>
      %dma_start3A_73 = tpu.memref_squeeze %dma_start3A_72 : memref<1x32xf32, #tpu.memory_space<vmem>> -> memref<32xf32, #tpu.memory_space<vmem>>
      %dma_start3A_74 = arith.constant 0 : i32
      %dma_start3A_75 = tpu.memref_slice %arg2[%squeeze3A_62, %dma_start3A_74] : memref<1000x32xf32, #tpu.memory_space<hbm>> -> memref<1x32xf32, #tpu.memory_space<hbm>>
      %dma_start3A_76 = tpu.memref_squeeze %dma_start3A_75 : memref<1x32xf32, #tpu.memory_space<hbm>> -> memref<32xf32, #tpu.memory_space<hbm>>
      tpu.enqueue_dma source(%dma_start3A_76 : memref<32xf32, #tpu.memory_space<hbm>>) target(%dma_start3A_73 : memref<32xf32, #tpu.memory_space<vmem>>) target_semaphore(%arg11 : memref<!tpu.dma_semaphore, #tpu.memory_space<semaphore_mem>>)
      %slice3A_77 = vector.extract_strided_slice %get3A_46 {offsets = [2], sizes = [1], strides = [1]} : vector<16xi32> to vector<1xi32>
      %squeeze3A_78 = vector.extract %slice3A_77[0] : i32 from vector<1xi32>
      %add3A_79 = arith.constant 2 : i32
      %add3A_80 = arith.addi %mul3A_44, %add3A_79 : i32
      %dma_start3A_81 = arith.constant 0 : i32
      %dma_start3A_82 = tpu.memref_slice %arg10[%add3A_80, %dma_start3A_81] : memref<512x32xf32, #tpu.memory_space<vmem>> -> memref<1x32xf32, #tpu.memory_space<vmem>>
      %dma_start3A_83 = tpu.memref_squeeze %dma_start3A_82 : memref<1x32xf32, #tpu.memory_space<vmem>> -> memref<32xf32, #tpu.memory_space<vmem>>
      %dma_start3A_84 = arith.constant 0 : i32
      %dma_start3A_85 = tpu.memref_slice %arg2[%squeeze3A_78, %dma_start3A_84] : memref<1000x32xf32, #tpu.memory_space<hbm>> -> memref<1x32xf32, #tpu.memory_space<hbm>>
      %dma_start3A_86 = tpu.memref_squeeze %dma_start3A_85 : memref<1x32xf32, #tpu.memory_space<hbm>> -> memref<32xf32, #tpu.memory_space<hbm>>
      %dma_start3A_87 = arith.constant 0 : i32
      %dma_start3A_88 = tpu.memref_slice %arg10[%add3A_80, %dma_start3A_87] : memref<512x32xf32, #tpu.memory_space<vmem>> -> memref<1x32xf32, #tpu.memory_space<vmem>>
      %dma_start3A_89 = tpu.memref_squeeze %dma_start3A_88 : memref<1x32xf32, #tpu.memory_space<vmem>> -> memref<32xf32, #tpu.memory_space<vmem>>
      %dma_start3A_90 = arith.constant 0 : i32
      %dma_start3A_91 = tpu.memref_slice %arg2[%squeeze3A_78, %dma_start3A_90] : memref<1000x32xf32, #tpu.memory_space<hbm>> -> memref<1x32xf32, #tpu.memory_space<hbm>>
      %dma_start3A_92 = tpu.memref_squeeze %dma_start3A_91 : memref<1x32xf32, #tpu.memory_space<hbm>> -> memref<32xf32, #tpu.memory_space<hbm>>
      tpu.enqueue_dma source(%dma_start3A_92 : memref<32xf32, #tpu.memory_space<hbm>>) target(%dma_start3A_89 : memref<32xf32, #tpu.memory_space<vmem>>) target_semaphore(%arg11 : memref<!tpu.dma_semaphore, #tpu.memory_space<semaphore_mem>>)
      %slice3A_93 = vector.extract_strided_slice %get3A_46 {offsets = [3], sizes = [1], strides = [1]} : vector<16xi32> to vector<1xi32>
      %squeeze3A_94 = vector.extract %slice3A_93[0] : i32 from vector<1xi32>
      %add3A_95 = arith.constant 3 : i32
      %add3A_96 = arith.addi %mul3A_44, %add3A_95 : i32
      %dma_start3A_97 = arith.constant 0 : i32
      %dma_start3A_98 = tpu.memref_slice %arg10[%add3A_96, %dma_start3A_97] : memref<512x32xf32, #tpu.memory_space<vmem>> -> memref<1x32xf32, #tpu.memory_space<vmem>>
      %dma_start3A_99 = tpu.memref_squeeze %dma_start3A_98 : memref<1x32xf32, #tpu.memory_space<vmem>> -> memref<32xf32, #tpu.memory_space<vmem>>
      %dma_start3A_100 = arith.constant 0 : i32
      %dma_start3A_101 = tpu.memref_slice %arg2[%squeeze3A_94, %dma_start3A_100] : memref<1000x32xf32, #tpu.memory_space<hbm>> -> memref<1x32xf32, #tpu.memory_space<hbm>>
      %dma_start3A_102 = tpu.memref_squeeze %dma_start3A_101 : memref<1x32xf32, #tpu.memory_space<hbm>> -> memref<32xf32, #tpu.memory_space<hbm>>
      %dma_start3A_103 = arith.constant 0 : i32
      %dma_start3A_104 = tpu.memref_slice %arg10[%add3A_96, %dma_start3A_103] : memref<512x32xf32, #tpu.memory_space<vmem>> -> memref<1x32xf32, #tpu.memory_space<vmem>>
      %dma_start3A_105 = tpu.memref_squeeze %dma_start3A_104 : memref<1x32xf32, #tpu.memory_space<vmem>> -> memref<32xf32, #tpu.memory_space<vmem>>
      %dma_start3A_106 = arith.constant 0 : i32
      %dma_start3A_107 = tpu.memref_slice %arg2[%squeeze3A_94, %dma_start3A_106] : memref<1000x32xf32, #tpu.memory_space<hbm>> -> memref<1x32xf32, #tpu.memory_space<hbm>>
      %dma_start3A_108 = tpu.memref_squeeze %dma_start3A_107 : memref<1x32xf32, #tpu.memory_space<hbm>> -> memref<32xf32, #tpu.memory_space<hbm>>
      tpu.enqueue_dma source(%dma_start3A_108 : memref<32xf32, #tpu.memory_space<hbm>>) target(%dma_start3A_105 : memref<32xf32, #tpu.memory_space<vmem>>) target_semaphore(%arg11 : memref<!tpu.dma_semaphore, #tpu.memory_space<semaphore_mem>>)
      %slice3A_109 = vector.extract_strided_slice %get3A_46 {offsets = [4], sizes = [1], strides = [1]} : vector<16xi32> to vector<1xi32>
      %squeeze3A_110 = vector.extract %slice3A_109[0] : i32 from vector<1xi32>
      %add3A_111 = arith.constant 4 : i32
      %add3A_112 = arith.addi %mul3A_44, %add3A_111 : i32
      %dma_start3A_113 = arith.constant 0 : i32
      %dma_start3A_114 = tpu.memref_slice %arg10[%add3A_112, %dma_start3A_113] : memref<512x32xf32, #tpu.memory_space<vmem>> -> memref<1x32xf32, #tpu.memory_space<vmem>>
      %dma_start3A_115 = tpu.memref_squeeze %dma_start3A_114 : memref<1x32xf32, #tpu.memory_space<vmem>> -> memref<32xf32, #tpu.memory_space<vmem>>
      %dma_start3A_116 = arith.constant 0 : i32
      %dma_start3A_117 = tpu.memref_slice %arg2[%squeeze3A_110, %dma_start3A_116] : memref<1000x32xf32, #tpu.memory_space<hbm>> -> memref<1x32xf32, #tpu.memory_space<hbm>>
      %dma_start3A_118 = tpu.memref_squeeze %dma_start3A_117 : memref<1x32xf32, #tpu.memory_space<hbm>> -> memref<32xf32, #tpu.memory_space<hbm>>
      %dma_start3A_119 = arith.constant 0 : i32
      %dma_start3A_120 = tpu.memref_slice %arg10[%add3A_112, %dma_start3A_119] : memref<512x32xf32, #tpu.memory_space<vmem>> -> memref<1x32xf32, #tpu.memory_space<vmem>>
      %dma_start3A_121 = tpu.memref_squeeze %dma_start3A_120 : memref<1x32xf32, #tpu.memory_space<vmem>> -> memref<32xf32, #tpu.memory_space<vmem>>
      %dma_start3A_122 = arith.constant 0 : i32
      %dma_start3A_123 = tpu.memref_slice %arg2[%squeeze3A_110, %dma_start3A_122] : memref<1000x32xf32, #tpu.memory_space<hbm>> -> memref<1x32xf32, #tpu.memory_space<hbm>>
      %dma_start3A_124 = tpu.memref_squeeze %dma_start3A_123 : memref<1x32xf32, #tpu.memory_space<hbm>> -> memref<32xf32, #tpu.memory_space<hbm>>
      tpu.enqueue_dma source(%dma_start3A_124 : memref<32xf32, #tpu.memory_space<hbm>>) target(%dma_start3A_121 : memref<32xf32, #tpu.memory_space<vmem>>) target_semaphore(%arg11 : memref<!tpu.dma_semaphore, #tpu.memory_space<semaphore_mem>>)
      %slice3A_125 = vector.extract_strided_slice %get3A_46 {offsets = [5], sizes = [1], strides = [1]} : vector<16xi32> to vector<1xi32>
      %squeeze3A_126 = vector.extract %slice3A_125[0] : i32 from vector<1xi32>
      %add3A_127 = arith.constant 5 : i32
      %add3A_128 = arith.addi %mul3A_44, %add3A_127 : i32
      %dma_start3A_129 = arith.constant 0 : i32
      %dma_start3A_130 = tpu.memref_slice %arg10[%add3A_128, %dma_start3A_129] : memref<512x32xf32, #tpu.memory_space<vmem>> -> memref<1x32xf32, #tpu.memory_space<vmem>>
      %dma_start3A_131 = tpu.memref_squeeze %dma_start3A_130 : memref<1x32xf32, #tpu.memory_space<vmem>> -> memref<32xf32, #tpu.memory_space<vmem>>
      %dma_start3A_132 = arith.constant 0 : i32
      %dma_start3A_133 = tpu.memref_slice %arg2[%squeeze3A_126, %dma_start3A_132] : memref<1000x32xf32, #tpu.memory_space<hbm>> -> memref<1x32xf32, #tpu.memory_space<hbm>>
      %dma_start3A_134 = tpu.memref_squeeze %dma_start3A_133 : memref<1x32xf32, #tpu.memory_space<hbm>> -> memref<32xf32, #tpu.memory_space<hbm>>
      %dma_start3A_135 = arith.constant 0 : i32
      %dma_start3A_136 = tpu.memref_slice %arg10[%add3A_128, %dma_start3A_135] : memref<512x32xf32, #tpu.memory_space<vmem>> -> memref<1x32xf32, #tpu.memory_space<vmem>>
      %dma_start3A_137 = tpu.memref_squeeze %dma_start3A_136 : memref<1x32xf32, #tpu.memory_space<vmem>> -> memref<32xf32, #tpu.memory_space<vmem>>
      %dma_start3A_138 = arith.constant 0 : i32
      %dma_start3A_139 = tpu.memref_slice %arg2[%squeeze3A_126, %dma_start3A_138] : memref<1000x32xf32, #tpu.memory_space<hbm>> -> memref<1x32xf32, #tpu.memory_space<hbm>>
      %dma_start3A_140 = tpu.memref_squeeze %dma_start3A_139 : memref<1x32xf32, #tpu.memory_space<hbm>> -> memref<32xf32, #tpu.memory_space<hbm>>
      tpu.enqueue_dma source(%dma_start3A_140 : memref<32xf32, #tpu.memory_space<hbm>>) target(%dma_start3A_137 : memref<32xf32, #tpu.memory_space<vmem>>) target_semaphore(%arg11 : memref<!tpu.dma_semaphore, #tpu.memory_space<semaphore_mem>>)
      %slice3A_141 = vector.extract_strided_slice %get3A_46 {offsets = [6], sizes = [1], strides = [1]} : vector<16xi32> to vector<1xi32>
      %squeeze3A_142 = vector.extract %slice3A_141[0] : i32 from vector<1xi32>
      %add3A_143 = arith.constant 6 : i32
      %add3A_144 = arith.addi %mul3A_44, %add3A_143 : i32
      %dma_start3A_145 = arith.constant 0 : i32
      %dma_start3A_146 = tpu.memref_slice %arg10[%add3A_144, %dma_start3A_145] : memref<512x32xf32, #tpu.memory_space<vmem>> -> memref<1x32xf32, #tpu.memory_space<vmem>>
      %dma_start3A_147 = tpu.memref_squeeze %dma_start3A_146 : memref<1x32xf32, #tpu.memory_space<vmem>> -> memref<32xf32, #tpu.memory_space<vmem>>
      %dma_start3A_148 = arith.constant 0 : i32
      %dma_start3A_149 = tpu.memref_slice %arg2[%squeeze3A_142, %dma_start3A_148] : memref<1000x32xf32, #tpu.memory_space<hbm>> -> memref<1x32xf32, #tpu.memory_space<hbm>>
      %dma_start3A_150 = tpu.memref_squeeze %dma_start3A_149 : memref<1x32xf32, #tpu.memory_space<hbm>> -> memref<32xf32, #tpu.memory_space<hbm>>
      %dma_start3A_151 = arith.constant 0 : i32
      %dma_start3A_152 = tpu.memref_slice %arg10[%add3A_144, %dma_start3A_151] : memref<512x32xf32, #tpu.memory_space<vmem>> -> memref<1x32xf32, #tpu.memory_space<vmem>>
      %dma_start3A_153 = tpu.memref_squeeze %dma_start3A_152 : memref<1x32xf32, #tpu.memory_space<vmem>> -> memref<32xf32, #tpu.memory_space<vmem>>
      %dma_start3A_154 = arith.constant 0 : i32
      %dma_start3A_155 = tpu.memref_slice %arg2[%squeeze3A_142, %dma_start3A_154] : memref<1000x32xf32, #tpu.memory_space<hbm>> -> memref<1x32xf32, #tpu.memory_space<hbm>>
      %dma_start3A_156 = tpu.memref_squeeze %dma_start3A_155 : memref<1x32xf32, #tpu.memory_space<hbm>> -> memref<32xf32, #tpu.memory_space<hbm>>
      tpu.enqueue_dma source(%dma_start3A_156 : memref<32xf32, #tpu.memory_space<hbm>>) target(%dma_start3A_153 : memref<32xf32, #tpu.memory_space<vmem>>) target_semaphore(%arg11 : memref<!tpu.dma_semaphore, #tpu.memory_space<semaphore_mem>>)
      %slice3A_157 = vector.extract_strided_slice %get3A_46 {offsets = [7], sizes = [1], strides = [1]} : vector<16xi32> to vector<1xi32>
      %squeeze3A_158 = vector.extract %slice3A_157[0] : i32 from vector<1xi32>
      %add3A_159 = arith.constant 7 : i32
      %add3A_160 = arith.addi %mul3A_44, %add3A_159 : i32
      %dma_start3A_161 = arith.constant 0 : i32
      %dma_start3A_162 = tpu.memref_slice %arg10[%add3A_160, %dma_start3A_161] : memref<512x32xf32, #tpu.memory_space<vmem>> -> memref<1x32xf32, #tpu.memory_space<vmem>>
      %dma_start3A_163 = tpu.memref_squeeze %dma_start3A_162 : memref<1x32xf32, #tpu.memory_space<vmem>> -> memref<32xf32, #tpu.memory_space<vmem>>
      %dma_start3A_164 = arith.constant 0 : i32
      %dma_start3A_165 = tpu.memref_slice %arg2[%squeeze3A_158, %dma_start3A_164] : memref<1000x32xf32, #tpu.memory_space<hbm>> -> memref<1x32xf32, #tpu.memory_space<hbm>>
      %dma_start3A_166 = tpu.memref_squeeze %dma_start3A_165 : memref<1x32xf32, #tpu.memory_space<hbm>> -> memref<32xf32, #tpu.memory_space<hbm>>
      %dma_start3A_167 = arith.constant 0 : i32
      %dma_start3A_168 = tpu.memref_slice %arg10[%add3A_160, %dma_start3A_167] : memref<512x32xf32, #tpu.memory_space<vmem>> -> memref<1x32xf32, #tpu.memory_space<vmem>>
      %dma_start3A_169 = tpu.memref_squeeze %dma_start3A_168 : memref<1x32xf32, #tpu.memory_space<vmem>> -> memref<32xf32, #tpu.memory_space<vmem>>
      %dma_start3A_170 = arith.constant 0 : i32
      %dma_start3A_171 = tpu.memref_slice %arg2[%squeeze3A_158, %dma_start3A_170] : memref<1000x32xf32, #tpu.memory_space<hbm>> -> memref<1x32xf32, #tpu.memory_space<hbm>>
      %dma_start3A_172 = tpu.memref_squeeze %dma_start3A_171 : memref<1x32xf32, #tpu.memory_space<hbm>> -> memref<32xf32, #tpu.memory_space<hbm>>
      tpu.enqueue_dma source(%dma_start3A_172 : memref<32xf32, #tpu.memory_space<hbm>>) target(%dma_start3A_169 : memref<32xf32, #tpu.memory_space<vmem>>) target_semaphore(%arg11 : memref<!tpu.dma_semaphore, #tpu.memory_space<semaphore_mem>>)
      %slice3A_173 = vector.extract_strided_slice %get3A_46 {offsets = [8], sizes = [1], strides = [1]} : vector<16xi32> to vector<1xi32>
      %squeeze3A_174 = vector.extract %slice3A_173[0] : i32 from vector<1xi32>
      %add3A_175 = arith.constant 8 : i32
      %add3A_176 = arith.addi %mul3A_44, %add3A_175 : i32
      %dma_start3A_177 = arith.constant 0 : i32
      %dma_start3A_178 = tpu.memref_slice %arg10[%add3A_176, %dma_start3A_177] : memref<512x32xf32, #tpu.memory_space<vmem>> -> memref<1x32xf32, #tpu.memory_space<vmem>>
      %dma_start3A_179 = tpu.memref_squeeze %dma_start3A_178 : memref<1x32xf32, #tpu.memory_space<vmem>> -> memref<32xf32, #tpu.memory_space<vmem>>
      %dma_start3A_180 = arith.constant 0 : i32
      %dma_start3A_181 = tpu.memref_slice %arg2[%squeeze3A_174, %dma_start3A_180] : memref<1000x32xf32, #tpu.memory_space<hbm>> -> memref<1x32xf32, #tpu.memory_space<hbm>>
      %dma_start3A_182 = tpu.memref_squeeze %dma_start3A_181 : memref<1x32xf32, #tpu.memory_space<hbm>> -> memref<32xf32, #tpu.memory_space<hbm>>
      %dma_start3A_183 = arith.constant 0 : i32
      %dma_start3A_184 = tpu.memref_slice %arg10[%add3A_176, %dma_start3A_183] : memref<512x32xf32, #tpu.memory_space<vmem>> -> memref<1x32xf32, #tpu.memory_space<vmem>>
      %dma_start3A_185 = tpu.memref_squeeze %dma_start3A_184 : memref<1x32xf32, #tpu.memory_space<vmem>> -> memref<32xf32, #tpu.memory_space<vmem>>
      %dma_start3A_186 = arith.constant 0 : i32
      %dma_start3A_187 = tpu.memref_slice %arg2[%squeeze3A_174, %dma_start3A_186] : memref<1000x32xf32, #tpu.memory_space<hbm>> -> memref<1x32xf32, #tpu.memory_space<hbm>>
      %dma_start3A_188 = tpu.memref_squeeze %dma_start3A_187 : memref<1x32xf32, #tpu.memory_space<hbm>> -> memref<32xf32, #tpu.memory_space<hbm>>
      tpu.enqueue_dma source(%dma_start3A_188 : memref<32xf32, #tpu.memory_space<hbm>>) target(%dma_start3A_185 : memref<32xf32, #tpu.memory_space<vmem>>) target_semaphore(%arg11 : memref<!tpu.dma_semaphore, #tpu.memory_space<semaphore_mem>>)
      %slice3A_189 = vector.extract_strided_slice %get3A_46 {offsets = [9], sizes = [1], strides = [1]} : vector<16xi32> to vector<1xi32>
      %squeeze3A_190 = vector.extract %slice3A_189[0] : i32 from vector<1xi32>
      %add3A_191 = arith.constant 9 : i32
      %add3A_192 = arith.addi %mul3A_44, %add3A_191 : i32
      %dma_start3A_193 = arith.constant 0 : i32
      %dma_start3A_194 = tpu.memref_slice %arg10[%add3A_192, %dma_start3A_193] : memref<512x32xf32, #tpu.memory_space<vmem>> -> memref<1x32xf32, #tpu.memory_space<vmem>>
      %dma_start3A_195 = tpu.memref_squeeze %dma_start3A_194 : memref<1x32xf32, #tpu.memory_space<vmem>> -> memref<32xf32, #tpu.memory_space<vmem>>
      %dma_start3A_196 = arith.constant 0 : i32
      %dma_start3A_197 = tpu.memref_slice %arg2[%squeeze3A_190, %dma_start3A_196] : memref<1000x32xf32, #tpu.memory_space<hbm>> -> memref<1x32xf32, #tpu.memory_space<hbm>>
      %dma_start3A_198 = tpu.memref_squeeze %dma_start3A_197 : memref<1x32xf32, #tpu.memory_space<hbm>> -> memref<32xf32, #tpu.memory_space<hbm>>
      %dma_start3A_199 = arith.constant 0 : i32
      %dma_start3A_200 = tpu.memref_slice %arg10[%add3A_192, %dma_start3A_199] : memref<512x32xf32, #tpu.memory_space<vmem>> -> memref<1x32xf32, #tpu.memory_space<vmem>>
      %dma_start3A_201 = tpu.memref_squeeze %dma_start3A_200 : memref<1x32xf32, #tpu.memory_space<vmem>> -> memref<32xf32, #tpu.memory_space<vmem>>
      %dma_start3A_202 = arith.constant 0 : i32
      %dma_start3A_203 = tpu.memref_slice %arg2[%squeeze3A_190, %dma_start3A_202] : memref<1000x32xf32, #tpu.memory_space<hbm>> -> memref<1x32xf32, #tpu.memory_space<hbm>>
      %dma_start3A_204 = tpu.memref_squeeze %dma_start3A_203 : memref<1x32xf32, #tpu.memory_space<hbm>> -> memref<32xf32, #tpu.memory_space<hbm>>
      tpu.enqueue_dma source(%dma_start3A_204 : memref<32xf32, #tpu.memory_space<hbm>>) target(%dma_start3A_201 : memref<32xf32, #tpu.memory_space<vmem>>) target_semaphore(%arg11 : memref<!tpu.dma_semaphore, #tpu.memory_space<semaphore_mem>>)
      %slice3A_205 = vector.extract_strided_slice %get3A_46 {offsets = [10], sizes = [1], strides = [1]} : vector<16xi32> to vector<1xi32>
      %squeeze3A_206 = vector.extract %slice3A_205[0] : i32 from vector<1xi32>
      %add3A_207 = arith.constant 10 : i32
      %add3A_208 = arith.addi %mul3A_44, %add3A_207 : i32
      %dma_start3A_209 = arith.constant 0 : i32
      %dma_start3A_210 = tpu.memref_slice %arg10[%add3A_208, %dma_start3A_209] : memref<512x32xf32, #tpu.memory_space<vmem>> -> memref<1x32xf32, #tpu.memory_space<vmem>>
      %dma_start3A_211 = tpu.memref_squeeze %dma_start3A_210 : memref<1x32xf32, #tpu.memory_space<vmem>> -> memref<32xf32, #tpu.memory_space<vmem>>
      %dma_start3A_212 = arith.constant 0 : i32
      %dma_start3A_213 = tpu.memref_slice %arg2[%squeeze3A_206, %dma_start3A_212] : memref<1000x32xf32, #tpu.memory_space<hbm>> -> memref<1x32xf32, #tpu.memory_space<hbm>>
      %dma_start3A_214 = tpu.memref_squeeze %dma_start3A_213 : memref<1x32xf32, #tpu.memory_space<hbm>> -> memref<32xf32, #tpu.memory_space<hbm>>
      %dma_start3A_215 = arith.constant 0 : i32
      %dma_start3A_216 = tpu.memref_slice %arg10[%add3A_208, %dma_start3A_215] : memref<512x32xf32, #tpu.memory_space<vmem>> -> memref<1x32xf32, #tpu.memory_space<vmem>>
      %dma_start3A_217 = tpu.memref_squeeze %dma_start3A_216 : memref<1x32xf32, #tpu.memory_space<vmem>> -> memref<32xf32, #tpu.memory_space<vmem>>
      %dma_start3A_218 = arith.constant 0 : i32
      %dma_start3A_219 = tpu.memref_slice %arg2[%squeeze3A_206, %dma_start3A_218] : memref<1000x32xf32, #tpu.memory_space<hbm>> -> memref<1x32xf32, #tpu.memory_space<hbm>>
      %dma_start3A_220 = tpu.memref_squeeze %dma_start3A_219 : memref<1x32xf32, #tpu.memory_space<hbm>> -> memref<32xf32, #tpu.memory_space<hbm>>
      tpu.enqueue_dma source(%dma_start3A_220 : memref<32xf32, #tpu.memory_space<hbm>>) target(%dma_start3A_217 : memref<32xf32, #tpu.memory_space<vmem>>) target_semaphore(%arg11 : memref<!tpu.dma_semaphore, #tpu.memory_space<semaphore_mem>>)
      %slice3A_221 = vector.extract_strided_slice %get3A_46 {offsets = [11], sizes = [1], strides = [1]} : vector<16xi32> to vector<1xi32>
      %squeeze3A_222 = vector.extract %slice3A_221[0] : i32 from vector<1xi32>
      %add3A_223 = arith.constant 11 : i32
      %add3A_224 = arith.addi %mul3A_44, %add3A_223 : i32
      %dma_start3A_225 = arith.constant 0 : i32
      %dma_start3A_226 = tpu.memref_slice %arg10[%add3A_224, %dma_start3A_225] : memref<512x32xf32, #tpu.memory_space<vmem>> -> memref<1x32xf32, #tpu.memory_space<vmem>>
      %dma_start3A_227 = tpu.memref_squeeze %dma_start3A_226 : memref<1x32xf32, #tpu.memory_space<vmem>> -> memref<32xf32, #tpu.memory_space<vmem>>
      %dma_start3A_228 = arith.constant 0 : i32
      %dma_start3A_229 = tpu.memref_slice %arg2[%squeeze3A_222, %dma_start3A_228] : memref<1000x32xf32, #tpu.memory_space<hbm>> -> memref<1x32xf32, #tpu.memory_space<hbm>>
      %dma_start3A_230 = tpu.memref_squeeze %dma_start3A_229 : memref<1x32xf32, #tpu.memory_space<hbm>> -> memref<32xf32, #tpu.memory_space<hbm>>
      %dma_start3A_231 = arith.constant 0 : i32
      %dma_start3A_232 = tpu.memref_slice %arg10[%add3A_224, %dma_start3A_231] : memref<512x32xf32, #tpu.memory_space<vmem>> -> memref<1x32xf32, #tpu.memory_space<vmem>>
      %dma_start3A_233 = tpu.memref_squeeze %dma_start3A_232 : memref<1x32xf32, #tpu.memory_space<vmem>> -> memref<32xf32, #tpu.memory_space<vmem>>
      %dma_start3A_234 = arith.constant 0 : i32
      %dma_start3A_235 = tpu.memref_slice %arg2[%squeeze3A_222, %dma_start3A_234] : memref<1000x32xf32, #tpu.memory_space<hbm>> -> memref<1x32xf32, #tpu.memory_space<hbm>>
      %dma_start3A_236 = tpu.memref_squeeze %dma_start3A_235 : memref<1x32xf32, #tpu.memory_space<hbm>> -> memref<32xf32, #tpu.memory_space<hbm>>
      tpu.enqueue_dma source(%dma_start3A_236 : memref<32xf32, #tpu.memory_space<hbm>>) target(%dma_start3A_233 : memref<32xf32, #tpu.memory_space<vmem>>) target_semaphore(%arg11 : memref<!tpu.dma_semaphore, #tpu.memory_space<semaphore_mem>>)
      %slice3A_237 = vector.extract_strided_slice %get3A_46 {offsets = [12], sizes = [1], strides = [1]} : vector<16xi32> to vector<1xi32>
      %squeeze3A_238 = vector.extract %slice3A_237[0] : i32 from vector<1xi32>
      %add3A_239 = arith.constant 12 : i32
      %add3A_240 = arith.addi %mul3A_44, %add3A_239 : i32
      %dma_start3A_241 = arith.constant 0 : i32
      %dma_start3A_242 = tpu.memref_slice %arg10[%add3A_240, %dma_start3A_241] : memref<512x32xf32, #tpu.memory_space<vmem>> -> memref<1x32xf32, #tpu.memory_space<vmem>>
      %dma_start3A_243 = tpu.memref_squeeze %dma_start3A_242 : memref<1x32xf32, #tpu.memory_space<vmem>> -> memref<32xf32, #tpu.memory_space<vmem>>
      %dma_start3A_244 = arith.constant 0 : i32
      %dma_start3A_245 = tpu.memref_slice %arg2[%squeeze3A_238, %dma_start3A_244] : memref<1000x32xf32, #tpu.memory_space<hbm>> -> memref<1x32xf32, #tpu.memory_space<hbm>>
      %dma_start3A_246 = tpu.memref_squeeze %dma_start3A_245 : memref<1x32xf32, #tpu.memory_space<hbm>> -> memref<32xf32, #tpu.memory_space<hbm>>
      %dma_start3A_247 = arith.constant 0 : i32
      %dma_start3A_248 = tpu.memref_slice %arg10[%add3A_240, %dma_start3A_247] : memref<512x32xf32, #tpu.memory_space<vmem>> -> memref<1x32xf32, #tpu.memory_space<vmem>>
      %dma_start3A_249 = tpu.memref_squeeze %dma_start3A_248 : memref<1x32xf32, #tpu.memory_space<vmem>> -> memref<32xf32, #tpu.memory_space<vmem>>
      %dma_start3A_250 = arith.constant 0 : i32
      %dma_start3A_251 = tpu.memref_slice %arg2[%squeeze3A_238, %dma_start3A_250] : memref<1000x32xf32, #tpu.memory_space<hbm>> -> memref<1x32xf32, #tpu.memory_space<hbm>>
      %dma_start3A_252 = tpu.memref_squeeze %dma_start3A_251 : memref<1x32xf32, #tpu.memory_space<hbm>> -> memref<32xf32, #tpu.memory_space<hbm>>
      tpu.enqueue_dma source(%dma_start3A_252 : memref<32xf32, #tpu.memory_space<hbm>>) target(%dma_start3A_249 : memref<32xf32, #tpu.memory_space<vmem>>) target_semaphore(%arg11 : memref<!tpu.dma_semaphore, #tpu.memory_space<semaphore_mem>>)
      %slice3A_253 = vector.extract_strided_slice %get3A_46 {offsets = [13], sizes = [1], strides = [1]} : vector<16xi32> to vector<1xi32>
      %squeeze3A_254 = vector.extract %slice3A_253[0] : i32 from vector<1xi32>
      %add3A_255 = arith.constant 13 : i32
      %add3A_256 = arith.addi %mul3A_44, %add3A_255 : i32
      %dma_start3A_257 = arith.constant 0 : i32
      %dma_start3A_258 = tpu.memref_slice %arg10[%add3A_256, %dma_start3A_257] : memref<512x32xf32, #tpu.memory_space<vmem>> -> memref<1x32xf32, #tpu.memory_space<vmem>>
      %dma_start3A_259 = tpu.memref_squeeze %dma_start3A_258 : memref<1x32xf32, #tpu.memory_space<vmem>> -> memref<32xf32, #tpu.memory_space<vmem>>
      %dma_start3A_260 = arith.constant 0 : i32
      %dma_start3A_261 = tpu.memref_slice %arg2[%squeeze3A_254, %dma_start3A_260] : memref<1000x32xf32, #tpu.memory_space<hbm>> -> memref<1x32xf32, #tpu.memory_space<hbm>>
      %dma_start3A_262 = tpu.memref_squeeze %dma_start3A_261 : memref<1x32xf32, #tpu.memory_space<hbm>> -> memref<32xf32, #tpu.memory_space<hbm>>
      %dma_start3A_263 = arith.constant 0 : i32
      %dma_start3A_264 = tpu.memref_slice %arg10[%add3A_256, %dma_start3A_263] : memref<512x32xf32, #tpu.memory_space<vmem>> -> memref<1x32xf32, #tpu.memory_space<vmem>>
      %dma_start3A_265 = tpu.memref_squeeze %dma_start3A_264 : memref<1x32xf32, #tpu.memory_space<vmem>> -> memref<32xf32, #tpu.memory_space<vmem>>
      %dma_start3A_266 = arith.constant 0 : i32
      %dma_start3A_267 = tpu.memref_slice %arg2[%squeeze3A_254, %dma_start3A_266] : memref<1000x32xf32, #tpu.memory_space<hbm>> -> memref<1x32xf32, #tpu.memory_space<hbm>>
      %dma_start3A_268 = tpu.memref_squeeze %dma_start3A_267 : memref<1x32xf32, #tpu.memory_space<hbm>> -> memref<32xf32, #tpu.memory_space<hbm>>
      tpu.enqueue_dma source(%dma_start3A_268 : memref<32xf32, #tpu.memory_space<hbm>>) target(%dma_start3A_265 : memref<32xf32, #tpu.memory_space<vmem>>) target_semaphore(%arg11 : memref<!tpu.dma_semaphore, #tpu.memory_space<semaphore_mem>>)
      %slice3A_269 = vector.extract_strided_slice %get3A_46 {offsets = [14], sizes = [1], strides = [1]} : vector<16xi32> to vector<1xi32>
      %squeeze3A_270 = vector.extract %slice3A_269[0] : i32 from vector<1xi32>
      %add3A_271 = arith.constant 14 : i32
      %add3A_272 = arith.addi %mul3A_44, %add3A_271 : i32
      %dma_start3A_273 = arith.constant 0 : i32
      %dma_start3A_274 = tpu.memref_slice %arg10[%add3A_272, %dma_start3A_273] : memref<512x32xf32, #tpu.memory_space<vmem>> -> memref<1x32xf32, #tpu.memory_space<vmem>>
      %dma_start3A_275 = tpu.memref_squeeze %dma_start3A_274 : memref<1x32xf32, #tpu.memory_space<vmem>> -> memref<32xf32, #tpu.memory_space<vmem>>
      %dma_start3A_276 = arith.constant 0 : i32
      %dma_start3A_277 = tpu.memref_slice %arg2[%squeeze3A_270, %dma_start3A_276] : memref<1000x32xf32, #tpu.memory_space<hbm>> -> memref<1x32xf32, #tpu.memory_space<hbm>>
      %dma_start3A_278 = tpu.memref_squeeze %dma_start3A_277 : memref<1x32xf32, #tpu.memory_space<hbm>> -> memref<32xf32, #tpu.memory_space<hbm>>
      %dma_start3A_279 = arith.constant 0 : i32
      %dma_start3A_280 = tpu.memref_slice %arg10[%add3A_272, %dma_start3A_279] : memref<512x32xf32, #tpu.memory_space<vmem>> -> memref<1x32xf32, #tpu.memory_space<vmem>>
      %dma_start3A_281 = tpu.memref_squeeze %dma_start3A_280 : memref<1x32xf32, #tpu.memory_space<vmem>> -> memref<32xf32, #tpu.memory_space<vmem>>
      %dma_start3A_282 = arith.constant 0 : i32
      %dma_start3A_283 = tpu.memref_slice %arg2[%squeeze3A_270, %dma_start3A_282] : memref<1000x32xf32, #tpu.memory_space<hbm>> -> memref<1x32xf32, #tpu.memory_space<hbm>>
      %dma_start3A_284 = tpu.memref_squeeze %dma_start3A_283 : memref<1x32xf32, #tpu.memory_space<hbm>> -> memref<32xf32, #tpu.memory_space<hbm>>
      tpu.enqueue_dma source(%dma_start3A_284 : memref<32xf32, #tpu.memory_space<hbm>>) target(%dma_start3A_281 : memref<32xf32, #tpu.memory_space<vmem>>) target_semaphore(%arg11 : memref<!tpu.dma_semaphore, #tpu.memory_space<semaphore_mem>>)
      %slice3A_285 = vector.extract_strided_slice %get3A_46 {offsets = [15], sizes = [1], strides = [1]} : vector<16xi32> to vector<1xi32>
      %squeeze3A_286 = vector.extract %slice3A_285[0] : i32 from vector<1xi32>
      %add3A_287 = arith.constant 15 : i32
      %add3A_288 = arith.addi %mul3A_44, %add3A_287 : i32
      %dma_start3A_289 = arith.constant 0 : i32
      %dma_start3A_290 = tpu.memref_slice %arg10[%add3A_288, %dma_start3A_289] : memref<512x32xf32, #tpu.memory_space<vmem>> -> memref<1x32xf32, #tpu.memory_space<vmem>>
      %dma_start3A_291 = tpu.memref_squeeze %dma_start3A_290 : memref<1x32xf32, #tpu.memory_space<vmem>> -> memref<32xf32, #tpu.memory_space<vmem>>
      %dma_start3A_292 = arith.constant 0 : i32
      %dma_start3A_293 = tpu.memref_slice %arg2[%squeeze3A_286, %dma_start3A_292] : memref<1000x32xf32, #tpu.memory_space<hbm>> -> memref<1x32xf32, #tpu.memory_space<hbm>>
      %dma_start3A_294 = tpu.memref_squeeze %dma_start3A_293 : memref<1x32xf32, #tpu.memory_space<hbm>> -> memref<32xf32, #tpu.memory_space<hbm>>
      %dma_start3A_295 = arith.constant 0 : i32
      %dma_start3A_296 = tpu.memref_slice %arg10[%add3A_288, %dma_start3A_295] : memref<512x32xf32, #tpu.memory_space<vmem>> -> memref<1x32xf32, #tpu.memory_space<vmem>>
      %dma_start3A_297 = tpu.memref_squeeze %dma_start3A_296 : memref<1x32xf32, #tpu.memory_space<vmem>> -> memref<32xf32, #tpu.memory_space<vmem>>
      %dma_start3A_298 = arith.constant 0 : i32
      %dma_start3A_299 = tpu.memref_slice %arg2[%squeeze3A_286, %dma_start3A_298] : memref<1000x32xf32, #tpu.memory_space<hbm>> -> memref<1x32xf32, #tpu.memory_space<hbm>>
      %dma_start3A_300 = tpu.memref_squeeze %dma_start3A_299 : memref<1x32xf32, #tpu.memory_space<hbm>> -> memref<32xf32, #tpu.memory_space<hbm>>
      tpu.enqueue_dma source(%dma_start3A_300 : memref<32xf32, #tpu.memory_space<hbm>>) target(%dma_start3A_297 : memref<32xf32, #tpu.memory_space<vmem>>) target_semaphore(%arg11 : memref<!tpu.dma_semaphore, #tpu.memory_space<semaphore_mem>>)
    }
    %scan3A_6 = arith.constant 32 : i32
    %dma_wait3A = arith.constant 0 : i32
    %dma_wait3A_7 = arith.constant 0 : i32
    %dma_wait3A_8 = tpu.memref_slice %arg2[%dma_wait3A, %dma_wait3A_7] : memref<1000x32xf32, #tpu.memory_space<hbm>> -> memref<512x32xf32, #tpu.memory_space<hbm>>
    %dma_wait3A_9 = arith.constant 0 : i32
    %dma_wait3A_10 = arith.constant 0 : i32
    %dma_wait3A_11 = tpu.memref_slice %arg2[%dma_wait3A_9, %dma_wait3A_10] : memref<1000x32xf32, #tpu.memory_space<hbm>> -> memref<512x32xf32, #tpu.memory_space<hbm>>
    tpu.wait_dma2 semaphore(%arg11 : memref<!tpu.dma_semaphore, #tpu.memory_space<semaphore_mem>>) src(%dma_wait3A_11 : memref<512x32xf32, #tpu.memory_space<hbm>>) dst(%arg10 : memref<512x32xf32, #tpu.memory_space<vmem>>)
    %dma_start3A = arith.constant 0 : i32
    %dma_start3A_12 = tpu.memref_slice %arg6[%mul3A_2, %dma_start3A] : memref<16384x32xf32, #tpu.memory_space<hbm>> -> memref<512x32xf32, #tpu.memory_space<hbm>>
    %dma_start3A_13 = arith.constant 0 : i32
    %dma_start3A_14 = tpu.memref_slice %arg6[%mul3A_2, %dma_start3A_13] : memref<16384x32xf32, #tpu.memory_space<hbm>> -> memref<512x32xf32, #tpu.memory_space<hbm>>
    tpu.enqueue_dma source(%arg10 : memref<512x32xf32, #tpu.memory_space<vmem>>) target(%dma_start3A_14 : memref<512x32xf32, #tpu.memory_space<hbm>>) target_semaphore(%arg12 : memref<!tpu.dma_semaphore, #tpu.memory_space<semaphore_mem>>)
    %dma_wait3A_15 = arith.constant 0 : i32
    %dma_wait3A_16 = tpu.memref_slice %arg6[%mul3A_2, %dma_wait3A_15] : memref<16384x32xf32, #tpu.memory_space<hbm>> -> memref<512x32xf32, #tpu.memory_space<hbm>>
    %dma_wait3A_17 = arith.constant 0 : i32
    %dma_wait3A_18 = tpu.memref_slice %arg6[%mul3A_2, %dma_wait3A_17] : memref<16384x32xf32, #tpu.memory_space<hbm>> -> memref<512x32xf32, #tpu.memory_space<hbm>>
    tpu.wait_dma2 semaphore(%arg12 : memref<!tpu.dma_semaphore, #tpu.memory_space<semaphore_mem>>) src(%arg10 : memref<512x32xf32, #tpu.memory_space<vmem>>) dst(%dma_wait3A_18 : memref<512x32xf32, #tpu.memory_space<hbm>>)
    %scan3A_19 = arith.constant 0 : i32
    %scan3A_20 = arith.constant 32 : i32
    %scan3A_21 = arith.addi %scan3A_19, %scan3A_20 : i32
    %scan3A_22 = arith.constant 1 : i32
    scf.for %scan3A_38 = %scan3A_19 to %scan3A_21 step %scan3A_22  : i32 {
      %mul3A_39 = arith.constant 1 : i32
      %mul3A_40 = arith.muli %scan3A_38, %mul3A_39 : i32
      %add3A_41 = arith.constant 0 : i32
      %add3A_42 = arith.addi %add3A_41, %mul3A_40 : i32
      %mul3A_43 = arith.constant 16 : i32
      %mul3A_44 = arith.muli %add3A_42, %mul3A_43 : i32
      %get3A = arith.index_cast %mul3A_44 : i32 to index
      %get3A_45 = tpu.vector_load %arg9[%get3A] {strides = array<i32>} : memref<512xi32, #tpu.memory_space<vmem>>, vector<16xi32>,
      %get3A_46 = vector.shape_cast %get3A_45 : vector<16xi32> to vector<16xi32>
      %slice3A = vector.extract_strided_slice %get3A_46 {offsets = [0], sizes = [1], strides = [1]} : vector<16xi32> to vector<1xi32>
      %squeeze3A = vector.extract %slice3A[0] : i32 from vector<1xi32>
      %add3A_47 = arith.constant 0 : i32
      %add3A_48 = arith.addi %mul3A_44, %add3A_47 : i32
      %dma_start3A_49 = arith.constant 0 : i32
      %dma_start3A_50 = tpu.memref_slice %arg10[%add3A_48, %dma_start3A_49] : memref<512x32xf32, #tpu.memory_space<vmem>> -> memref<1x32xf32, #tpu.memory_space<vmem>>
      %dma_start3A_51 = tpu.memref_squeeze %dma_start3A_50 : memref<1x32xf32, #tpu.memory_space<vmem>> -> memref<32xf32, #tpu.memory_space<vmem>>
      %dma_start3A_52 = arith.constant 0 : i32
      %dma_start3A_53 = tpu.memref_slice %arg3[%squeeze3A, %dma_start3A_52] : memref<200x32xf32, #tpu.memory_space<hbm>> -> memref<1x32xf32, #tpu.memory_space<hbm>>
      %dma_start3A_54 = tpu.memref_squeeze %dma_start3A_53 : memref<1x32xf32, #tpu.memory_space<hbm>> -> memref<32xf32, #tpu.memory_space<hbm>>
      %dma_start3A_55 = arith.constant 0 : i32
      %dma_start3A_56 = tpu.memref_slice %arg10[%add3A_48, %dma_start3A_55] : memref<512x32xf32, #tpu.memory_space<vmem>> -> memref<1x32xf32, #tpu.memory_space<vmem>>
      %dma_start3A_57 = tpu.memref_squeeze %dma_start3A_56 : memref<1x32xf32, #tpu.memory_space<vmem>> -> memref<32xf32, #tpu.memory_space<vmem>>
      %dma_start3A_58 = arith.constant 0 : i32
      %dma_start3A_59 = tpu.memref_slice %arg3[%squeeze3A, %dma_start3A_58] : memref<200x32xf32, #tpu.memory_space<hbm>> -> memref<1x32xf32, #tpu.memory_space<hbm>>
      %dma_start3A_60 = tpu.memref_squeeze %dma_start3A_59 : memref<1x32xf32, #tpu.memory_space<hbm>> -> memref<32xf32, #tpu.memory_space<hbm>>
      tpu.enqueue_dma source(%dma_start3A_60 : memref<32xf32, #tpu.memory_space<hbm>>) target(%dma_start3A_57 : memref<32xf32, #tpu.memory_space<vmem>>) target_semaphore(%arg11 : memref<!tpu.dma_semaphore, #tpu.memory_space<semaphore_mem>>)
      %slice3A_61 = vector.extract_strided_slice %get3A_46 {offsets = [1], sizes = [1], strides = [1]} : vector<16xi32> to vector<1xi32>
      %squeeze3A_62 = vector.extract %slice3A_61[0] : i32 from vector<1xi32>
      %add3A_63 = arith.constant 1 : i32
      %add3A_64 = arith.addi %mul3A_44, %add3A_63 : i32
      %dma_start3A_65 = arith.constant 0 : i32
      %dma_start3A_66 = tpu.memref_slice %arg10[%add3A_64, %dma_start3A_65] : memref<512x32xf32, #tpu.memory_space<vmem>> -> memref<1x32xf32, #tpu.memory_space<vmem>>
      %dma_start3A_67 = tpu.memref_squeeze %dma_start3A_66 : memref<1x32xf32, #tpu.memory_space<vmem>> -> memref<32xf32, #tpu.memory_space<vmem>>
      %dma_start3A_68 = arith.constant 0 : i32
      %dma_start3A_69 = tpu.memref_slice %arg3[%squeeze3A_62, %dma_start3A_68] : memref<200x32xf32, #tpu.memory_space<hbm>> -> memref<1x32xf32, #tpu.memory_space<hbm>>
      %dma_start3A_70 = tpu.memref_squeeze %dma_start3A_69 : memref<1x32xf32, #tpu.memory_space<hbm>> -> memref<32xf32, #tpu.memory_space<hbm>>
      %dma_start3A_71 = arith.constant 0 : i32
      %dma_start3A_72 = tpu.memref_slice %arg10[%add3A_64, %dma_start3A_71] : memref<512x32xf32, #tpu.memory_space<vmem>> -> memref<1x32xf32, #tpu.memory_space<vmem>>
      %dma_start3A_73 = tpu.memref_squeeze %dma_start3A_72 : memref<1x32xf32, #tpu.memory_space<vmem>> -> memref<32xf32, #tpu.memory_space<vmem>>
      %dma_start3A_74 = arith.constant 0 : i32
      %dma_start3A_75 = tpu.memref_slice %arg3[%squeeze3A_62, %dma_start3A_74] : memref<200x32xf32, #tpu.memory_space<hbm>> -> memref<1x32xf32, #tpu.memory_space<hbm>>
      %dma_start3A_76 = tpu.memref_squeeze %dma_start3A_75 : memref<1x32xf32, #tpu.memory_space<hbm>> -> memref<32xf32, #tpu.memory_space<hbm>>
      tpu.enqueue_dma source(%dma_start3A_76 : memref<32xf32, #tpu.memory_space<hbm>>) target(%dma_start3A_73 : memref<32xf32, #tpu.memory_space<vmem>>) target_semaphore(%arg11 : memref<!tpu.dma_semaphore, #tpu.memory_space<semaphore_mem>>)
      %slice3A_77 = vector.extract_strided_slice %get3A_46 {offsets = [2], sizes = [1], strides = [1]} : vector<16xi32> to vector<1xi32>
      %squeeze3A_78 = vector.extract %slice3A_77[0] : i32 from vector<1xi32>
      %add3A_79 = arith.constant 2 : i32
      %add3A_80 = arith.addi %mul3A_44, %add3A_79 : i32
      %dma_start3A_81 = arith.constant 0 : i32
      %dma_start3A_82 = tpu.memref_slice %arg10[%add3A_80, %dma_start3A_81] : memref<512x32xf32, #tpu.memory_space<vmem>> -> memref<1x32xf32, #tpu.memory_space<vmem>>
      %dma_start3A_83 = tpu.memref_squeeze %dma_start3A_82 : memref<1x32xf32, #tpu.memory_space<vmem>> -> memref<32xf32, #tpu.memory_space<vmem>>
      %dma_start3A_84 = arith.constant 0 : i32
      %dma_start3A_85 = tpu.memref_slice %arg3[%squeeze3A_78, %dma_start3A_84] : memref<200x32xf32, #tpu.memory_space<hbm>> -> memref<1x32xf32, #tpu.memory_space<hbm>>
      %dma_start3A_86 = tpu.memref_squeeze %dma_start3A_85 : memref<1x32xf32, #tpu.memory_space<hbm>> -> memref<32xf32, #tpu.memory_space<hbm>>
      %dma_start3A_87 = arith.constant 0 : i32
      %dma_start3A_88 = tpu.memref_slice %arg10[%add3A_80, %dma_start3A_87] : memref<512x32xf32, #tpu.memory_space<vmem>> -> memref<1x32xf32, #tpu.memory_space<vmem>>
      %dma_start3A_89 = tpu.memref_squeeze %dma_start3A_88 : memref<1x32xf32, #tpu.memory_space<vmem>> -> memref<32xf32, #tpu.memory_space<vmem>>
      %dma_start3A_90 = arith.constant 0 : i32
      %dma_start3A_91 = tpu.memref_slice %arg3[%squeeze3A_78, %dma_start3A_90] : memref<200x32xf32, #tpu.memory_space<hbm>> -> memref<1x32xf32, #tpu.memory_space<hbm>>
      %dma_start3A_92 = tpu.memref_squeeze %dma_start3A_91 : memref<1x32xf32, #tpu.memory_space<hbm>> -> memref<32xf32, #tpu.memory_space<hbm>>
      tpu.enqueue_dma source(%dma_start3A_92 : memref<32xf32, #tpu.memory_space<hbm>>) target(%dma_start3A_89 : memref<32xf32, #tpu.memory_space<vmem>>) target_semaphore(%arg11 : memref<!tpu.dma_semaphore, #tpu.memory_space<semaphore_mem>>)
      %slice3A_93 = vector.extract_strided_slice %get3A_46 {offsets = [3], sizes = [1], strides = [1]} : vector<16xi32> to vector<1xi32>
      %squeeze3A_94 = vector.extract %slice3A_93[0] : i32 from vector<1xi32>
      %add3A_95 = arith.constant 3 : i32
      %add3A_96 = arith.addi %mul3A_44, %add3A_95 : i32
      %dma_start3A_97 = arith.constant 0 : i32
      %dma_start3A_98 = tpu.memref_slice %arg10[%add3A_96, %dma_start3A_97] : memref<512x32xf32, #tpu.memory_space<vmem>> -> memref<1x32xf32, #tpu.memory_space<vmem>>
      %dma_start3A_99 = tpu.memref_squeeze %dma_start3A_98 : memref<1x32xf32, #tpu.memory_space<vmem>> -> memref<32xf32, #tpu.memory_space<vmem>>
      %dma_start3A_100 = arith.constant 0 : i32
      %dma_start3A_101 = tpu.memref_slice %arg3[%squeeze3A_94, %dma_start3A_100] : memref<200x32xf32, #tpu.memory_space<hbm>> -> memref<1x32xf32, #tpu.memory_space<hbm>>
      %dma_start3A_102 = tpu.memref_squeeze %dma_start3A_101 : memref<1x32xf32, #tpu.memory_space<hbm>> -> memref<32xf32, #tpu.memory_space<hbm>>
      %dma_start3A_103 = arith.constant 0 : i32
      %dma_start3A_104 = tpu.memref_slice %arg10[%add3A_96, %dma_start3A_103] : memref<512x32xf32, #tpu.memory_space<vmem>> -> memref<1x32xf32, #tpu.memory_space<vmem>>
      %dma_start3A_105 = tpu.memref_squeeze %dma_start3A_104 : memref<1x32xf32, #tpu.memory_space<vmem>> -> memref<32xf32, #tpu.memory_space<vmem>>
      %dma_start3A_106 = arith.constant 0 : i32
      %dma_start3A_107 = tpu.memref_slice %arg3[%squeeze3A_94, %dma_start3A_106] : memref<200x32xf32, #tpu.memory_space<hbm>> -> memref<1x32xf32, #tpu.memory_space<hbm>>
      %dma_start3A_108 = tpu.memref_squeeze %dma_start3A_107 : memref<1x32xf32, #tpu.memory_space<hbm>> -> memref<32xf32, #tpu.memory_space<hbm>>
      tpu.enqueue_dma source(%dma_start3A_108 : memref<32xf32, #tpu.memory_space<hbm>>) target(%dma_start3A_105 : memref<32xf32, #tpu.memory_space<vmem>>) target_semaphore(%arg11 : memref<!tpu.dma_semaphore, #tpu.memory_space<semaphore_mem>>)
      %slice3A_109 = vector.extract_strided_slice %get3A_46 {offsets = [4], sizes = [1], strides = [1]} : vector<16xi32> to vector<1xi32>
      %squeeze3A_110 = vector.extract %slice3A_109[0] : i32 from vector<1xi32>
      %add3A_111 = arith.constant 4 : i32
      %add3A_112 = arith.addi %mul3A_44, %add3A_111 : i32
      %dma_start3A_113 = arith.constant 0 : i32
      %dma_start3A_114 = tpu.memref_slice %arg10[%add3A_112, %dma_start3A_113] : memref<512x32xf32, #tpu.memory_space<vmem>> -> memref<1x32xf32, #tpu.memory_space<vmem>>
      %dma_start3A_115 = tpu.memref_squeeze %dma_start3A_114 : memref<1x32xf32, #tpu.memory_space<vmem>> -> memref<32xf32, #tpu.memory_space<vmem>>
      %dma_start3A_116 = arith.constant 0 : i32
      %dma_start3A_117 = tpu.memref_slice %arg3[%squeeze3A_110, %dma_start3A_116] : memref<200x32xf32, #tpu.memory_space<hbm>> -> memref<1x32xf32, #tpu.memory_space<hbm>>
      %dma_start3A_118 = tpu.memref_squeeze %dma_start3A_117 : memref<1x32xf32, #tpu.memory_space<hbm>> -> memref<32xf32, #tpu.memory_space<hbm>>
      %dma_start3A_119 = arith.constant 0 : i32
      %dma_start3A_120 = tpu.memref_slice %arg10[%add3A_112, %dma_start3A_119] : memref<512x32xf32, #tpu.memory_space<vmem>> -> memref<1x32xf32, #tpu.memory_space<vmem>>
      %dma_start3A_121 = tpu.memref_squeeze %dma_start3A_120 : memref<1x32xf32, #tpu.memory_space<vmem>> -> memref<32xf32, #tpu.memory_space<vmem>>
      %dma_start3A_122 = arith.constant 0 : i32
      %dma_start3A_123 = tpu.memref_slice %arg3[%squeeze3A_110, %dma_start3A_122] : memref<200x32xf32, #tpu.memory_space<hbm>> -> memref<1x32xf32, #tpu.memory_space<hbm>>
      %dma_start3A_124 = tpu.memref_squeeze %dma_start3A_123 : memref<1x32xf32, #tpu.memory_space<hbm>> -> memref<32xf32, #tpu.memory_space<hbm>>
      tpu.enqueue_dma source(%dma_start3A_124 : memref<32xf32, #tpu.memory_space<hbm>>) target(%dma_start3A_121 : memref<32xf32, #tpu.memory_space<vmem>>) target_semaphore(%arg11 : memref<!tpu.dma_semaphore, #tpu.memory_space<semaphore_mem>>)
      %slice3A_125 = vector.extract_strided_slice %get3A_46 {offsets = [5], sizes = [1], strides = [1]} : vector<16xi32> to vector<1xi32>
      %squeeze3A_126 = vector.extract %slice3A_125[0] : i32 from vector<1xi32>
      %add3A_127 = arith.constant 5 : i32
      %add3A_128 = arith.addi %mul3A_44, %add3A_127 : i32
      %dma_start3A_129 = arith.constant 0 : i32
      %dma_start3A_130 = tpu.memref_slice %arg10[%add3A_128, %dma_start3A_129] : memref<512x32xf32, #tpu.memory_space<vmem>> -> memref<1x32xf32, #tpu.memory_space<vmem>>
      %dma_start3A_131 = tpu.memref_squeeze %dma_start3A_130 : memref<1x32xf32, #tpu.memory_space<vmem>> -> memref<32xf32, #tpu.memory_space<vmem>>
      %dma_start3A_132 = arith.constant 0 : i32
      %dma_start3A_133 = tpu.memref_slice %arg3[%squeeze3A_126, %dma_start3A_132] : memref<200x32xf32, #tpu.memory_space<hbm>> -> memref<1x32xf32, #tpu.memory_space<hbm>>
      %dma_start3A_134 = tpu.memref_squeeze %dma_start3A_133 : memref<1x32xf32, #tpu.memory_space<hbm>> -> memref<32xf32, #tpu.memory_space<hbm>>
      %dma_start3A_135 = arith.constant 0 : i32
      %dma_start3A_136 = tpu.memref_slice %arg10[%add3A_128, %dma_start3A_135] : memref<512x32xf32, #tpu.memory_space<vmem>> -> memref<1x32xf32, #tpu.memory_space<vmem>>
      %dma_start3A_137 = tpu.memref_squeeze %dma_start3A_136 : memref<1x32xf32, #tpu.memory_space<vmem>> -> memref<32xf32, #tpu.memory_space<vmem>>
      %dma_start3A_138 = arith.constant 0 : i32
      %dma_start3A_139 = tpu.memref_slice %arg3[%squeeze3A_126, %dma_start3A_138] : memref<200x32xf32, #tpu.memory_space<hbm>> -> memref<1x32xf32, #tpu.memory_space<hbm>>
      %dma_start3A_140 = tpu.memref_squeeze %dma_start3A_139 : memref<1x32xf32, #tpu.memory_space<hbm>> -> memref<32xf32, #tpu.memory_space<hbm>>
      tpu.enqueue_dma source(%dma_start3A_140 : memref<32xf32, #tpu.memory_space<hbm>>) target(%dma_start3A_137 : memref<32xf32, #tpu.memory_space<vmem>>) target_semaphore(%arg11 : memref<!tpu.dma_semaphore, #tpu.memory_space<semaphore_mem>>)
      %slice3A_141 = vector.extract_strided_slice %get3A_46 {offsets = [6], sizes = [1], strides = [1]} : vector<16xi32> to vector<1xi32>
      %squeeze3A_142 = vector.extract %slice3A_141[0] : i32 from vector<1xi32>
      %add3A_143 = arith.constant 6 : i32
      %add3A_144 = arith.addi %mul3A_44, %add3A_143 : i32
      %dma_start3A_145 = arith.constant 0 : i32
      %dma_start3A_146 = tpu.memref_slice %arg10[%add3A_144, %dma_start3A_145] : memref<512x32xf32, #tpu.memory_space<vmem>> -> memref<1x32xf32, #tpu.memory_space<vmem>>
      %dma_start3A_147 = tpu.memref_squeeze %dma_start3A_146 : memref<1x32xf32, #tpu.memory_space<vmem>> -> memref<32xf32, #tpu.memory_space<vmem>>
      %dma_start3A_148 = arith.constant 0 : i32
      %dma_start3A_149 = tpu.memref_slice %arg3[%squeeze3A_142, %dma_start3A_148] : memref<200x32xf32, #tpu.memory_space<hbm>> -> memref<1x32xf32, #tpu.memory_space<hbm>>
      %dma_start3A_150 = tpu.memref_squeeze %dma_start3A_149 : memref<1x32xf32, #tpu.memory_space<hbm>> -> memref<32xf32, #tpu.memory_space<hbm>>
      %dma_start3A_151 = arith.constant 0 : i32
      %dma_start3A_152 = tpu.memref_slice %arg10[%add3A_144, %dma_start3A_151] : memref<512x32xf32, #tpu.memory_space<vmem>> -> memref<1x32xf32, #tpu.memory_space<vmem>>
      %dma_start3A_153 = tpu.memref_squeeze %dma_start3A_152 : memref<1x32xf32, #tpu.memory_space<vmem>> -> memref<32xf32, #tpu.memory_space<vmem>>
      %dma_start3A_154 = arith.constant 0 : i32
      %dma_start3A_155 = tpu.memref_slice %arg3[%squeeze3A_142, %dma_start3A_154] : memref<200x32xf32, #tpu.memory_space<hbm>> -> memref<1x32xf32, #tpu.memory_space<hbm>>
      %dma_start3A_156 = tpu.memref_squeeze %dma_start3A_155 : memref<1x32xf32, #tpu.memory_space<hbm>> -> memref<32xf32, #tpu.memory_space<hbm>>
      tpu.enqueue_dma source(%dma_start3A_156 : memref<32xf32, #tpu.memory_space<hbm>>) target(%dma_start3A_153 : memref<32xf32, #tpu.memory_space<vmem>>) target_semaphore(%arg11 : memref<!tpu.dma_semaphore, #tpu.memory_space<semaphore_mem>>)
      %slice3A_157 = vector.extract_strided_slice %get3A_46 {offsets = [7], sizes = [1], strides = [1]} : vector<16xi32> to vector<1xi32>
      %squeeze3A_158 = vector.extract %slice3A_157[0] : i32 from vector<1xi32>
      %add3A_159 = arith.constant 7 : i32
      %add3A_160 = arith.addi %mul3A_44, %add3A_159 : i32
      %dma_start3A_161 = arith.constant 0 : i32
      %dma_start3A_162 = tpu.memref_slice %arg10[%add3A_160, %dma_start3A_161] : memref<512x32xf32, #tpu.memory_space<vmem>> -> memref<1x32xf32, #tpu.memory_space<vmem>>
      %dma_start3A_163 = tpu.memref_squeeze %dma_start3A_162 : memref<1x32xf32, #tpu.memory_space<vmem>> -> memref<32xf32, #tpu.memory_space<vmem>>
      %dma_start3A_164 = arith.constant 0 : i32
      %dma_start3A_165 = tpu.memref_slice %arg3[%squeeze3A_158, %dma_start3A_164] : memref<200x32xf32, #tpu.memory_space<hbm>> -> memref<1x32xf32, #tpu.memory_space<hbm>>
      %dma_start3A_166 = tpu.memref_squeeze %dma_start3A_165 : memref<1x32xf32, #tpu.memory_space<hbm>> -> memref<32xf32, #tpu.memory_space<hbm>>
      %dma_start3A_167 = arith.constant 0 : i32
      %dma_start3A_168 = tpu.memref_slice %arg10[%add3A_160, %dma_start3A_167] : memref<512x32xf32, #tpu.memory_space<vmem>> -> memref<1x32xf32, #tpu.memory_space<vmem>>
      %dma_start3A_169 = tpu.memref_squeeze %dma_start3A_168 : memref<1x32xf32, #tpu.memory_space<vmem>> -> memref<32xf32, #tpu.memory_space<vmem>>
      %dma_start3A_170 = arith.constant 0 : i32
      %dma_start3A_171 = tpu.memref_slice %arg3[%squeeze3A_158, %dma_start3A_170] : memref<200x32xf32, #tpu.memory_space<hbm>> -> memref<1x32xf32, #tpu.memory_space<hbm>>
      %dma_start3A_172 = tpu.memref_squeeze %dma_start3A_171 : memref<1x32xf32, #tpu.memory_space<hbm>> -> memref<32xf32, #tpu.memory_space<hbm>>
      tpu.enqueue_dma source(%dma_start3A_172 : memref<32xf32, #tpu.memory_space<hbm>>) target(%dma_start3A_169 : memref<32xf32, #tpu.memory_space<vmem>>) target_semaphore(%arg11 : memref<!tpu.dma_semaphore, #tpu.memory_space<semaphore_mem>>)
      %slice3A_173 = vector.extract_strided_slice %get3A_46 {offsets = [8], sizes = [1], strides = [1]} : vector<16xi32> to vector<1xi32>
      %squeeze3A_174 = vector.extract %slice3A_173[0] : i32 from vector<1xi32>
      %add3A_175 = arith.constant 8 : i32
      %add3A_176 = arith.addi %mul3A_44, %add3A_175 : i32
      %dma_start3A_177 = arith.constant 0 : i32
      %dma_start3A_178 = tpu.memref_slice %arg10[%add3A_176, %dma_start3A_177] : memref<512x32xf32, #tpu.memory_space<vmem>> -> memref<1x32xf32, #tpu.memory_space<vmem>>
      %dma_start3A_179 = tpu.memref_squeeze %dma_start3A_178 : memref<1x32xf32, #tpu.memory_space<vmem>> -> memref<32xf32, #tpu.memory_space<vmem>>
      %dma_start3A_180 = arith.constant 0 : i32
      %dma_start3A_181 = tpu.memref_slice %arg3[%squeeze3A_174, %dma_start3A_180] : memref<200x32xf32, #tpu.memory_space<hbm>> -> memref<1x32xf32, #tpu.memory_space<hbm>>
      %dma_start3A_182 = tpu.memref_squeeze %dma_start3A_181 : memref<1x32xf32, #tpu.memory_space<hbm>> -> memref<32xf32, #tpu.memory_space<hbm>>
      %dma_start3A_183 = arith.constant 0 : i32
      %dma_start3A_184 = tpu.memref_slice %arg10[%add3A_176, %dma_start3A_183] : memref<512x32xf32, #tpu.memory_space<vmem>> -> memref<1x32xf32, #tpu.memory_space<vmem>>
      %dma_start3A_185 = tpu.memref_squeeze %dma_start3A_184 : memref<1x32xf32, #tpu.memory_space<vmem>> -> memref<32xf32, #tpu.memory_space<vmem>>
      %dma_start3A_186 = arith.constant 0 : i32
      %dma_start3A_187 = tpu.memref_slice %arg3[%squeeze3A_174, %dma_start3A_186] : memref<200x32xf32, #tpu.memory_space<hbm>> -> memref<1x32xf32, #tpu.memory_space<hbm>>
      %dma_start3A_188 = tpu.memref_squeeze %dma_start3A_187 : memref<1x32xf32, #tpu.memory_space<hbm>> -> memref<32xf32, #tpu.memory_space<hbm>>
      tpu.enqueue_dma source(%dma_start3A_188 : memref<32xf32, #tpu.memory_space<hbm>>) target(%dma_start3A_185 : memref<32xf32, #tpu.memory_space<vmem>>) target_semaphore(%arg11 : memref<!tpu.dma_semaphore, #tpu.memory_space<semaphore_mem>>)
      %slice3A_189 = vector.extract_strided_slice %get3A_46 {offsets = [9], sizes = [1], strides = [1]} : vector<16xi32> to vector<1xi32>
      %squeeze3A_190 = vector.extract %slice3A_189[0] : i32 from vector<1xi32>
      %add3A_191 = arith.constant 9 : i32
      %add3A_192 = arith.addi %mul3A_44, %add3A_191 : i32
      %dma_start3A_193 = arith.constant 0 : i32
      %dma_start3A_194 = tpu.memref_slice %arg10[%add3A_192, %dma_start3A_193] : memref<512x32xf32, #tpu.memory_space<vmem>> -> memref<1x32xf32, #tpu.memory_space<vmem>>
      %dma_start3A_195 = tpu.memref_squeeze %dma_start3A_194 : memref<1x32xf32, #tpu.memory_space<vmem>> -> memref<32xf32, #tpu.memory_space<vmem>>
      %dma_start3A_196 = arith.constant 0 : i32
      %dma_start3A_197 = tpu.memref_slice %arg3[%squeeze3A_190, %dma_start3A_196] : memref<200x32xf32, #tpu.memory_space<hbm>> -> memref<1x32xf32, #tpu.memory_space<hbm>>
      %dma_start3A_198 = tpu.memref_squeeze %dma_start3A_197 : memref<1x32xf32, #tpu.memory_space<hbm>> -> memref<32xf32, #tpu.memory_space<hbm>>
      %dma_start3A_199 = arith.constant 0 : i32
      %dma_start3A_200 = tpu.memref_slice %arg10[%add3A_192, %dma_start3A_199] : memref<512x32xf32, #tpu.memory_space<vmem>> -> memref<1x32xf32, #tpu.memory_space<vmem>>
      %dma_start3A_201 = tpu.memref_squeeze %dma_start3A_200 : memref<1x32xf32, #tpu.memory_space<vmem>> -> memref<32xf32, #tpu.memory_space<vmem>>
      %dma_start3A_202 = arith.constant 0 : i32
      %dma_start3A_203 = tpu.memref_slice %arg3[%squeeze3A_190, %dma_start3A_202] : memref<200x32xf32, #tpu.memory_space<hbm>> -> memref<1x32xf32, #tpu.memory_space<hbm>>
      %dma_start3A_204 = tpu.memref_squeeze %dma_start3A_203 : memref<1x32xf32, #tpu.memory_space<hbm>> -> memref<32xf32, #tpu.memory_space<hbm>>
      tpu.enqueue_dma source(%dma_start3A_204 : memref<32xf32, #tpu.memory_space<hbm>>) target(%dma_start3A_201 : memref<32xf32, #tpu.memory_space<vmem>>) target_semaphore(%arg11 : memref<!tpu.dma_semaphore, #tpu.memory_space<semaphore_mem>>)
      %slice3A_205 = vector.extract_strided_slice %get3A_46 {offsets = [10], sizes = [1], strides = [1]} : vector<16xi32> to vector<1xi32>
      %squeeze3A_206 = vector.extract %slice3A_205[0] : i32 from vector<1xi32>
      %add3A_207 = arith.constant 10 : i32
      %add3A_208 = arith.addi %mul3A_44, %add3A_207 : i32
      %dma_start3A_209 = arith.constant 0 : i32
      %dma_start3A_210 = tpu.memref_slice %arg10[%add3A_208, %dma_start3A_209] : memref<512x32xf32, #tpu.memory_space<vmem>> -> memref<1x32xf32, #tpu.memory_space<vmem>>
      %dma_start3A_211 = tpu.memref_squeeze %dma_start3A_210 : memref<1x32xf32, #tpu.memory_space<vmem>> -> memref<32xf32, #tpu.memory_space<vmem>>
      %dma_start3A_212 = arith.constant 0 : i32
      %dma_start3A_213 = tpu.memref_slice %arg3[%squeeze3A_206, %dma_start3A_212] : memref<200x32xf32, #tpu.memory_space<hbm>> -> memref<1x32xf32, #tpu.memory_space<hbm>>
      %dma_start3A_214 = tpu.memref_squeeze %dma_start3A_213 : memref<1x32xf32, #tpu.memory_space<hbm>> -> memref<32xf32, #tpu.memory_space<hbm>>
      %dma_start3A_215 = arith.constant 0 : i32
      %dma_start3A_216 = tpu.memref_slice %arg10[%add3A_208, %dma_start3A_215] : memref<512x32xf32, #tpu.memory_space<vmem>> -> memref<1x32xf32, #tpu.memory_space<vmem>>
      %dma_start3A_217 = tpu.memref_squeeze %dma_start3A_216 : memref<1x32xf32, #tpu.memory_space<vmem>> -> memref<32xf32, #tpu.memory_space<vmem>>
      %dma_start3A_218 = arith.constant 0 : i32
      %dma_start3A_219 = tpu.memref_slice %arg3[%squeeze3A_206, %dma_start3A_218] : memref<200x32xf32, #tpu.memory_space<hbm>> -> memref<1x32xf32, #tpu.memory_space<hbm>>
      %dma_start3A_220 = tpu.memref_squeeze %dma_start3A_219 : memref<1x32xf32, #tpu.memory_space<hbm>> -> memref<32xf32, #tpu.memory_space<hbm>>
      tpu.enqueue_dma source(%dma_start3A_220 : memref<32xf32, #tpu.memory_space<hbm>>) target(%dma_start3A_217 : memref<32xf32, #tpu.memory_space<vmem>>) target_semaphore(%arg11 : memref<!tpu.dma_semaphore, #tpu.memory_space<semaphore_mem>>)
      %slice3A_221 = vector.extract_strided_slice %get3A_46 {offsets = [11], sizes = [1], strides = [1]} : vector<16xi32> to vector<1xi32>
      %squeeze3A_222 = vector.extract %slice3A_221[0] : i32 from vector<1xi32>
      %add3A_223 = arith.constant 11 : i32
      %add3A_224 = arith.addi %mul3A_44, %add3A_223 : i32
      %dma_start3A_225 = arith.constant 0 : i32
      %dma_start3A_226 = tpu.memref_slice %arg10[%add3A_224, %dma_start3A_225] : memref<512x32xf32, #tpu.memory_space<vmem>> -> memref<1x32xf32, #tpu.memory_space<vmem>>
      %dma_start3A_227 = tpu.memref_squeeze %dma_start3A_226 : memref<1x32xf32, #tpu.memory_space<vmem>> -> memref<32xf32, #tpu.memory_space<vmem>>
      %dma_start3A_228 = arith.constant 0 : i32
      %dma_start3A_229 = tpu.memref_slice %arg3[%squeeze3A_222, %dma_start3A_228] : memref<200x32xf32, #tpu.memory_space<hbm>> -> memref<1x32xf32, #tpu.memory_space<hbm>>
      %dma_start3A_230 = tpu.memref_squeeze %dma_start3A_229 : memref<1x32xf32, #tpu.memory_space<hbm>> -> memref<32xf32, #tpu.memory_space<hbm>>
      %dma_start3A_231 = arith.constant 0 : i32
      %dma_start3A_232 = tpu.memref_slice %arg10[%add3A_224, %dma_start3A_231] : memref<512x32xf32, #tpu.memory_space<vmem>> -> memref<1x32xf32, #tpu.memory_space<vmem>>
      %dma_start3A_233 = tpu.memref_squeeze %dma_start3A_232 : memref<1x32xf32, #tpu.memory_space<vmem>> -> memref<32xf32, #tpu.memory_space<vmem>>
      %dma_start3A_234 = arith.constant 0 : i32
      %dma_start3A_235 = tpu.memref_slice %arg3[%squeeze3A_222, %dma_start3A_234] : memref<200x32xf32, #tpu.memory_space<hbm>> -> memref<1x32xf32, #tpu.memory_space<hbm>>
      %dma_start3A_236 = tpu.memref_squeeze %dma_start3A_235 : memref<1x32xf32, #tpu.memory_space<hbm>> -> memref<32xf32, #tpu.memory_space<hbm>>
      tpu.enqueue_dma source(%dma_start3A_236 : memref<32xf32, #tpu.memory_space<hbm>>) target(%dma_start3A_233 : memref<32xf32, #tpu.memory_space<vmem>>) target_semaphore(%arg11 : memref<!tpu.dma_semaphore, #tpu.memory_space<semaphore_mem>>)
      %slice3A_237 = vector.extract_strided_slice %get3A_46 {offsets = [12], sizes = [1], strides = [1]} : vector<16xi32> to vector<1xi32>
      %squeeze3A_238 = vector.extract %slice3A_237[0] : i32 from vector<1xi32>
      %add3A_239 = arith.constant 12 : i32
      %add3A_240 = arith.addi %mul3A_44, %add3A_239 : i32
      %dma_start3A_241 = arith.constant 0 : i32
      %dma_start3A_242 = tpu.memref_slice %arg10[%add3A_240, %dma_start3A_241] : memref<512x32xf32, #tpu.memory_space<vmem>> -> memref<1x32xf32, #tpu.memory_space<vmem>>
      %dma_start3A_243 = tpu.memref_squeeze %dma_start3A_242 : memref<1x32xf32, #tpu.memory_space<vmem>> -> memref<32xf32, #tpu.memory_space<vmem>>
      %dma_start3A_244 = arith.constant 0 : i32
      %dma_start3A_245 = tpu.memref_slice %arg3[%squeeze3A_238, %dma_start3A_244] : memref<200x32xf32, #tpu.memory_space<hbm>> -> memref<1x32xf32, #tpu.memory_space<hbm>>
      %dma_start3A_246 = tpu.memref_squeeze %dma_start3A_245 : memref<1x32xf32, #tpu.memory_space<hbm>> -> memref<32xf32, #tpu.memory_space<hbm>>
      %dma_start3A_247 = arith.constant 0 : i32
      %dma_start3A_248 = tpu.memref_slice %arg10[%add3A_240, %dma_start3A_247] : memref<512x32xf32, #tpu.memory_space<vmem>> -> memref<1x32xf32, #tpu.memory_space<vmem>>
      %dma_start3A_249 = tpu.memref_squeeze %dma_start3A_248 : memref<1x32xf32, #tpu.memory_space<vmem>> -> memref<32xf32, #tpu.memory_space<vmem>>
      %dma_start3A_250 = arith.constant 0 : i32
      %dma_start3A_251 = tpu.memref_slice %arg3[%squeeze3A_238, %dma_start3A_250] : memref<200x32xf32, #tpu.memory_space<hbm>> -> memref<1x32xf32, #tpu.memory_space<hbm>>
      %dma_start3A_252 = tpu.memref_squeeze %dma_start3A_251 : memref<1x32xf32, #tpu.memory_space<hbm>> -> memref<32xf32, #tpu.memory_space<hbm>>
      tpu.enqueue_dma source(%dma_start3A_252 : memref<32xf32, #tpu.memory_space<hbm>>) target(%dma_start3A_249 : memref<32xf32, #tpu.memory_space<vmem>>) target_semaphore(%arg11 : memref<!tpu.dma_semaphore, #tpu.memory_space<semaphore_mem>>)
      %slice3A_253 = vector.extract_strided_slice %get3A_46 {offsets = [13], sizes = [1], strides = [1]} : vector<16xi32> to vector<1xi32>
      %squeeze3A_254 = vector.extract %slice3A_253[0] : i32 from vector<1xi32>
      %add3A_255 = arith.constant 13 : i32
      %add3A_256 = arith.addi %mul3A_44, %add3A_255 : i32
      %dma_start3A_257 = arith.constant 0 : i32
      %dma_start3A_258 = tpu.memref_slice %arg10[%add3A_256, %dma_start3A_257] : memref<512x32xf32, #tpu.memory_space<vmem>> -> memref<1x32xf32, #tpu.memory_space<vmem>>
      %dma_start3A_259 = tpu.memref_squeeze %dma_start3A_258 : memref<1x32xf32, #tpu.memory_space<vmem>> -> memref<32xf32, #tpu.memory_space<vmem>>
      %dma_start3A_260 = arith.constant 0 : i32
      %dma_start3A_261 = tpu.memref_slice %arg3[%squeeze3A_254, %dma_start3A_260] : memref<200x32xf32, #tpu.memory_space<hbm>> -> memref<1x32xf32, #tpu.memory_space<hbm>>
      %dma_start3A_262 = tpu.memref_squeeze %dma_start3A_261 : memref<1x32xf32, #tpu.memory_space<hbm>> -> memref<32xf32, #tpu.memory_space<hbm>>
      %dma_start3A_263 = arith.constant 0 : i32
      %dma_start3A_264 = tpu.memref_slice %arg10[%add3A_256, %dma_start3A_263] : memref<512x32xf32, #tpu.memory_space<vmem>> -> memref<1x32xf32, #tpu.memory_space<vmem>>
      %dma_start3A_265 = tpu.memref_squeeze %dma_start3A_264 : memref<1x32xf32, #tpu.memory_space<vmem>> -> memref<32xf32, #tpu.memory_space<vmem>>
      %dma_start3A_266 = arith.constant 0 : i32
      %dma_start3A_267 = tpu.memref_slice %arg3[%squeeze3A_254, %dma_start3A_266] : memref<200x32xf32, #tpu.memory_space<hbm>> -> memref<1x32xf32, #tpu.memory_space<hbm>>
      %dma_start3A_268 = tpu.memref_squeeze %dma_start3A_267 : memref<1x32xf32, #tpu.memory_space<hbm>> -> memref<32xf32, #tpu.memory_space<hbm>>
      tpu.enqueue_dma source(%dma_start3A_268 : memref<32xf32, #tpu.memory_space<hbm>>) target(%dma_start3A_265 : memref<32xf32, #tpu.memory_space<vmem>>) target_semaphore(%arg11 : memref<!tpu.dma_semaphore, #tpu.memory_space<semaphore_mem>>)
      %slice3A_269 = vector.extract_strided_slice %get3A_46 {offsets = [14], sizes = [1], strides = [1]} : vector<16xi32> to vector<1xi32>
      %squeeze3A_270 = vector.extract %slice3A_269[0] : i32 from vector<1xi32>
      %add3A_271 = arith.constant 14 : i32
      %add3A_272 = arith.addi %mul3A_44, %add3A_271 : i32
      %dma_start3A_273 = arith.constant 0 : i32
      %dma_start3A_274 = tpu.memref_slice %arg10[%add3A_272, %dma_start3A_273] : memref<512x32xf32, #tpu.memory_space<vmem>> -> memref<1x32xf32, #tpu.memory_space<vmem>>
      %dma_start3A_275 = tpu.memref_squeeze %dma_start3A_274 : memref<1x32xf32, #tpu.memory_space<vmem>> -> memref<32xf32, #tpu.memory_space<vmem>>
      %dma_start3A_276 = arith.constant 0 : i32
      %dma_start3A_277 = tpu.memref_slice %arg3[%squeeze3A_270, %dma_start3A_276] : memref<200x32xf32, #tpu.memory_space<hbm>> -> memref<1x32xf32, #tpu.memory_space<hbm>>
      %dma_start3A_278 = tpu.memref_squeeze %dma_start3A_277 : memref<1x32xf32, #tpu.memory_space<hbm>> -> memref<32xf32, #tpu.memory_space<hbm>>
      %dma_start3A_279 = arith.constant 0 : i32
      %dma_start3A_280 = tpu.memref_slice %arg10[%add3A_272, %dma_start3A_279] : memref<512x32xf32, #tpu.memory_space<vmem>> -> memref<1x32xf32, #tpu.memory_space<vmem>>
      %dma_start3A_281 = tpu.memref_squeeze %dma_start3A_280 : memref<1x32xf32, #tpu.memory_space<vmem>> -> memref<32xf32, #tpu.memory_space<vmem>>
      %dma_start3A_282 = arith.constant 0 : i32
      %dma_start3A_283 = tpu.memref_slice %arg3[%squeeze3A_270, %dma_start3A_282] : memref<200x32xf32, #tpu.memory_space<hbm>> -> memref<1x32xf32, #tpu.memory_space<hbm>>
      %dma_start3A_284 = tpu.memref_squeeze %dma_start3A_283 : memref<1x32xf32, #tpu.memory_space<hbm>> -> memref<32xf32, #tpu.memory_space<hbm>>
      tpu.enqueue_dma source(%dma_start3A_284 : memref<32xf32, #tpu.memory_space<hbm>>) target(%dma_start3A_281 : memref<32xf32, #tpu.memory_space<vmem>>) target_semaphore(%arg11 : memref<!tpu.dma_semaphore, #tpu.memory_space<semaphore_mem>>)
      %slice3A_285 = vector.extract_strided_slice %get3A_46 {offsets = [15], sizes = [1], strides = [1]} : vector<16xi32> to vector<1xi32>
      %squeeze3A_286 = vector.extract %slice3A_285[0] : i32 from vector<1xi32>
      %add3A_287 = arith.constant 15 : i32
      %add3A_288 = arith.addi %mul3A_44, %add3A_287 : i32
      %dma_start3A_289 = arith.constant 0 : i32
      %dma_start3A_290 = tpu.memref_slice %arg10[%add3A_288, %dma_start3A_289] : memref<512x32xf32, #tpu.memory_space<vmem>> -> memref<1x32xf32, #tpu.memory_space<vmem>>
      %dma_start3A_291 = tpu.memref_squeeze %dma_start3A_290 : memref<1x32xf32, #tpu.memory_space<vmem>> -> memref<32xf32, #tpu.memory_space<vmem>>
      %dma_start3A_292 = arith.constant 0 : i32
      %dma_start3A_293 = tpu.memref_slice %arg3[%squeeze3A_286, %dma_start3A_292] : memref<200x32xf32, #tpu.memory_space<hbm>> -> memref<1x32xf32, #tpu.memory_space<hbm>>
      %dma_start3A_294 = tpu.memref_squeeze %dma_start3A_293 : memref<1x32xf32, #tpu.memory_space<hbm>> -> memref<32xf32, #tpu.memory_space<hbm>>
      %dma_start3A_295 = arith.constant 0 : i32
      %dma_start3A_296 = tpu.memref_slice %arg10[%add3A_288, %dma_start3A_295] : memref<512x32xf32, #tpu.memory_space<vmem>> -> memref<1x32xf32, #tpu.memory_space<vmem>>
      %dma_start3A_297 = tpu.memref_squeeze %dma_start3A_296 : memref<1x32xf32, #tpu.memory_space<vmem>> -> memref<32xf32, #tpu.memory_space<vmem>>
      %dma_start3A_298 = arith.constant 0 : i32
      %dma_start3A_299 = tpu.memref_slice %arg3[%squeeze3A_286, %dma_start3A_298] : memref<200x32xf32, #tpu.memory_space<hbm>> -> memref<1x32xf32, #tpu.memory_space<hbm>>
      %dma_start3A_300 = tpu.memref_squeeze %dma_start3A_299 : memref<1x32xf32, #tpu.memory_space<hbm>> -> memref<32xf32, #tpu.memory_space<hbm>>
      tpu.enqueue_dma source(%dma_start3A_300 : memref<32xf32, #tpu.memory_space<hbm>>) target(%dma_start3A_297 : memref<32xf32, #tpu.memory_space<vmem>>) target_semaphore(%arg11 : memref<!tpu.dma_semaphore, #tpu.memory_space<semaphore_mem>>)
    }
    %scan3A_23 = arith.constant 32 : i32
    %dma_wait3A_24 = arith.constant 0 : i32
    %dma_wait3A_25 = arith.constant 0 : i32
    %dma_wait3A_26 = tpu.memref_slice %arg3[%dma_wait3A_24, %dma_wait3A_25] : memref<200x32xf32, #tpu.memory_space<hbm>> -> memref<512x32xf32, #tpu.memory_space<hbm>>
    %dma_wait3A_27 = arith.constant 0 : i32
    %dma_wait3A_28 = arith.constant 0 : i32
    %dma_wait3A_29 = tpu.memref_slice %arg3[%dma_wait3A_27, %dma_wait3A_28] : memref<200x32xf32, #tpu.memory_space<hbm>> -> memref<512x32xf32, #tpu.memory_space<hbm>>
    tpu.wait_dma2 semaphore(%arg11 : memref<!tpu.dma_semaphore, #tpu.memory_space<semaphore_mem>>) src(%dma_wait3A_29 : memref<512x32xf32, #tpu.memory_space<hbm>>) dst(%arg10 : memref<512x32xf32, #tpu.memory_space<vmem>>)
    %dma_start3A_30 = arith.constant 0 : i32
    %dma_start3A_31 = tpu.memref_slice %arg7[%mul3A_2, %dma_start3A_30] : memref<16384x32xf32, #tpu.memory_space<hbm>> -> memref<512x32xf32, #tpu.memory_space<hbm>>
    %dma_start3A_32 = arith.constant 0 : i32
    %dma_start3A_33 = tpu.memref_slice %arg7[%mul3A_2, %dma_start3A_32] : memref<16384x32xf32, #tpu.memory_space<hbm>> -> memref<512x32xf32, #tpu.memory_space<hbm>>
    tpu.enqueue_dma source(%arg10 : memref<512x32xf32, #tpu.memory_space<vmem>>) target(%dma_start3A_33 : memref<512x32xf32, #tpu.memory_space<hbm>>) target_semaphore(%arg12 : memref<!tpu.dma_semaphore, #tpu.memory_space<semaphore_mem>>)
    %dma_wait3A_34 = arith.constant 0 : i32
    %dma_wait3A_35 = tpu.memref_slice %arg7[%mul3A_2, %dma_wait3A_34] : memref<16384x32xf32, #tpu.memory_space<hbm>> -> memref<512x32xf32, #tpu.memory_space<hbm>>
    %dma_wait3A_36 = arith.constant 0 : i32
    %dma_wait3A_37 = tpu.memref_slice %arg7[%mul3A_2, %dma_wait3A_36] : memref<16384x32xf32, #tpu.memory_space<hbm>> -> memref<512x32xf32, #tpu.memory_space<hbm>>
    tpu.wait_dma2 semaphore(%arg12 : memref<!tpu.dma_semaphore, #tpu.memory_space<semaphore_mem>>) src(%arg10 : memref<512x32xf32, #tpu.memory_space<vmem>>) dst(%dma_wait3A_37 : memref<512x32xf32, #tpu.memory_space<hbm>>)
    return
  }
}

module attributes {stable_mosaic.version = 14 : i64} {
  func.func @_tc_combine_body(%arg0: memref<4096x128xf32, #tpu.memory_space<vmem>>, %arg1: memref<4096x128xf32, #tpu.memory_space<vmem>>, %arg2: memref<4096x128xf32, #tpu.memory_space<vmem>>, %arg3: memref<4096x104xf32, #tpu.memory_space<vmem>>, %arg4: memref<4096x104xf32, #tpu.memory_space<vmem>>, %arg5: memref<104x128xf32, #tpu.memory_space<vmem>>, %arg6: memref<104x128xf32, #tpu.memory_space<vmem>>, %arg7: memref<128x4xf32, #tpu.memory_space<vmem>>, %arg8: memref<4096x4xf32, #tpu.memory_space<vmem>>) attributes {dimension_semantics = [], scalar_prefetch = 0 : i64, scratch_operands = 0 : i64, tpu.core_type = #tpu.core_type<tc>} {
    %get3A = arith.constant 0 : index
    %get3A_0 = arith.constant 0 : index
    %get3A_1 = vector.load %arg3[%get3A, %get3A_0] : memref<4096x104xf32, #tpu.memory_space<vmem>>, vector<4096x104xf32>
    %get3A_2 = arith.constant 0 : index
    %get3A_3 = arith.constant 0 : index
    %get3A_4 = vector.load %arg5[%get3A_2, %get3A_3] : memref<104x128xf32, #tpu.memory_space<vmem>>, vector<104x128xf32>
    %dot_general3A = arith.constant dense<0.000000e+00> : vector<4096x128xf32>
    %dot_general3A_5 = tpu.matmul %get3A_1, %get3A_4, %dot_general3A {dimension_numbers = #tpu.dot_dimension_numbers<[1], [0], [0], [1], [0, 0, 1, 1], [], []>, precision = #tpu.contract_precision<fp32>, transpose_lhs_hint = false} : vector<4096x104xf32>, vector<104x128xf32>, vector<4096x128xf32> -> vector<4096x128xf32>
    %get3A_6 = arith.constant 0 : index
    %get3A_7 = arith.constant 0 : index
    %get3A_8 = vector.load %arg4[%get3A_6, %get3A_7] : memref<4096x104xf32, #tpu.memory_space<vmem>>, vector<4096x104xf32>
    %get3A_9 = arith.constant 0 : index
    %get3A_10 = arith.constant 0 : index
    %get3A_11 = vector.load %arg6[%get3A_9, %get3A_10] : memref<104x128xf32, #tpu.memory_space<vmem>>, vector<104x128xf32>
    %dot_general3A_12 = arith.constant dense<0.000000e+00> : vector<4096x128xf32>
    %dot_general3A_13 = tpu.matmul %get3A_8, %get3A_11, %dot_general3A_12 {dimension_numbers = #tpu.dot_dimension_numbers<[1], [0], [0], [1], [0, 0, 1, 1], [], []>, precision = #tpu.contract_precision<fp32>, transpose_lhs_hint = false} : vector<4096x104xf32>, vector<104x128xf32>, vector<4096x128xf32> -> vector<4096x128xf32>
    %get3A_14 = arith.constant 0 : index
    %get3A_15 = arith.constant 0 : index
    %get3A_16 = vector.load %arg0[%get3A_14, %get3A_15] : memref<4096x128xf32, #tpu.memory_space<vmem>>, vector<4096x128xf32>
    %add3A = arith.addf %get3A_16, %dot_general3A_5 : vector<4096x128xf32>
    %get3A_17 = arith.constant 0 : index
    %get3A_18 = arith.constant 0 : index
    %get3A_19 = vector.load %arg1[%get3A_17, %get3A_18] : memref<4096x128xf32, #tpu.memory_space<vmem>>, vector<4096x128xf32>
    %mul3A = arith.mulf %add3A, %get3A_19 : vector<4096x128xf32>
    %get3A_20 = arith.constant 0 : index
    %get3A_21 = arith.constant 0 : index
    %get3A_22 = vector.load %arg2[%get3A_20, %get3A_21] : memref<4096x128xf32, #tpu.memory_space<vmem>>, vector<4096x128xf32>
    %add3A_23 = arith.addf %get3A_22, %dot_general3A_13 : vector<4096x128xf32>
    %mul3A_24 = arith.mulf %mul3A, %add3A_23 : vector<4096x128xf32>
    %get3A_25 = arith.constant 0 : index
    %get3A_26 = arith.constant 0 : index
    %get3A_27 = vector.load %arg7[%get3A_25, %get3A_26] : memref<128x4xf32, #tpu.memory_space<vmem>>, vector<128x4xf32>
    %dot_general3A_28 = arith.constant dense<0.000000e+00> : vector<4096x4xf32>
    %dot_general3A_29 = tpu.matmul %mul3A_24, %get3A_27, %dot_general3A_28 {dimension_numbers = #tpu.dot_dimension_numbers<[1], [0], [0], [1], [0, 0, 1, 1], [], []>, precision = #tpu.contract_precision<fp32>, transpose_lhs_hint = false} : vector<4096x128xf32>, vector<128x4xf32>, vector<4096x4xf32> -> vector<4096x4xf32>
    %swap3A = arith.constant 0 : index
    %swap3A_30 = arith.constant 0 : index
    %swap3A_31 = vector.load %arg8[%swap3A, %swap3A_30] : memref<4096x4xf32, #tpu.memory_space<vmem>>, vector<4096x4xf32>
    tpu.vector_store %arg8[%swap3A, %swap3A_30], %dot_general3A_29 {strides = array<i32>} : memref<4096x4xf32, #tpu.memory_space<vmem>>, vector<4096x4xf32>,
    return
  }
}

</mosaic_0001>

<sc_bundles>
// kernel: kernel.5.cloned.1.call-start
scs
__scs_entry_jumppad:
0x0: {  	(pc) =	sbr.rel $0x88, $3  }
0x1: {  	(tag) =	ssettag $0x0;
	lr =	simm.s32 $0x1  }
0x2: {  	[smem:$0x3F97] =	sst lr;
	_ =	strace $0xD0000000  }
0x3: {  	_ = 	snop  }
0x4: {  	_ = 	snop  }
0x5: {  	_ = 	snop  }
0x6: {  	_ = 	snop  }
0x7: {  	_ = 	snop  }
__scs_overlays_trampoline_lowered:
0x8: {  	[smem:$0x3FA6] =	sst s0  }
0x9: {  	[smem:$0x3FA7] =	sst s1  }
0xa: {  	[smem:$0x3FA8] =	sst s2  }
0xb: {  	[smem:$0x3FA9] =	sst s3  }
0xc: {  	[smem:$0x3FAA] =	sst s4  }
0xd: {  	[smem:$0x3FAB] =	sst s5  }
0xe: {  	[smem:$0x3FAC] =	sst s6  }
0xf: {  	[smem:$0x3FAD] =	sst s7  }
0x10: {  	[smem:$0x3FAE] =	sst s8  }
0x11: {  	[smem:$0x3FAF] =	sst s9;
	s0 =	simm.s32 @!p0 $0x0  }
0x12: {  	s1 =	sld [smem:$0x3F95];
	s0 =	simm.s32 @p0 $0x1  }
0x13: {  	[smem:$0x3FB0] =	sst s0;
	s0 =	simm.s32 @!p1 $0x0  }
0x14: {  	s2 =	sld [smem:$0x3F94];
	s0 =	simm.s32 @p1 $0x1  }
0x15: {  	[smem:$0x3FB1] =	sst s0;
	s0 =	simm.s32 @!p2 $0x0  }
0x16: {  	s3 =	sld [smem:$0x3FDB];
	s0 =	simm.s32 @p2 $0x1  }
0x17: {  	s4 =	simm.s32 $0x1BF5;
	[smem:$0x3FB3] =	sst s0  }
0x18: {  	s0 =	sld [smem:$0x3F96];
	_ =	swait.ge [sflag:s4], $0x0  }
0x19: {  	s7 =	sld [smem:$0x3F97]  }
0x1a: {  	s8 =	sadd.s32 $0xFFFFE003, lr  }
0x1b: {  	s9 =	sadd.s32 $0xFFFFFEF7, lr;
	s5 =	simm.s32 $0xFFFFFFFF;
	p2 =	slt.u32 s8, $0xFFFFF086  }
0x1c: {  	p1 =	slt.u32 s9, $0xF7A;
	s5 =	simm.s32 @!p2 $0x0  }
0x1d: {  	s5 =	simm.s32 @p1 $0x1;
	p0 =	seq.s32 s7, s2  }
0x1e: {  	s7 =	smul.u32 @!p0 $0xF7A, s2;
	p2 =	seq.s32 @!p0 s5, $0x0  }
0x1f: {  	s9 =	smul.u32 $0xF7A, s1;
	s8 =	simm.s32 @!p0 $0x1BF5;
	p2 =	por !p2, p0  }
0x20: {  	[sflag:s8] =	ssyncset.s32 @!p0 $0xFFFFF086;
	s6 =	sadd.s32 @!p0 s3, s7;
	s7 =	simm.s32 @!p0 $0x108  }
0x21: {  	s3 =	sadd.s32 s3, s9;
	s6 =	sadd.s32 @!p0 $0x88, s6;
	s7 =	simm.s32 @p2 $0x1082  }
0x22: {  	[simem:s7], [sflag:s8] =	dma.local @!p0 [hbm:s6], $0xF7A  }
0x23: {  	s9 =	sor.u32 $0xD0000000, s2;
	s6 =	simm.s32 $0x108;
	_ =	swait.ge @!p0 [sflag:s8], $0x0  }
0x24: {  	s3 =	sadd.s32 $0x88, s3;
	s6 =	simm.s32 @!p1 $0x1082;
	[sflag:s4] =	ssyncset.s32 $0xFFFFF086  }
0x25: {  	[simem:s6], [sflag:s4] =	dma.local [hbm:s3], $0xF7A  }
0x26: {  	[smem:$0x3F97] =	sst s1;
	(tag) =	ssettag s2;
	_ =	strace s9  }
0x27: {  	s1 =	sld [smem:$0x3FA7]  }
0x28: {  	s2 =	sld [smem:$0x3FA8]  }
0x29: {  	s4 =	sld [smem:$0x3FAA]  }
0x2a: {  	p0 =	seq.s32 s5, $0x0;
	s5 =	sld [smem:$0x3FAB]  }
0x2b: {  	s6 =	sld [smem:$0x3FAC]  }
0x2c: {  	s7 =	sld [smem:$0x3FAD]  }
0x2d: {  	s3 =	simm.s32 $0x108;
	s8 =	sld [smem:$0x3FAE]  }
0x2e: {  	s3 =	simm.s32 @!p0 $0x1082;
	s9 =	sld [smem:$0x3FAF]  }
0x2f: {  	lr =	sadd.s32 s0, s3;
	s0 =	sld [smem:$0x3FA6]  }
0x30: {  	s3 =	sld [smem:$0x3FA9]  }
0x31: {  	[smem:$0x3FB2] =	sst s10  }
0x32: {  	s10 =	sld [smem:$0x3FB0];
	_ =	sdelay $0x3  }
0x33: {  	p0 =	seq.s32 s10, $0x1;
	s10 =	sld [smem:$0x3FB2];
	_ =	sdelay $0x3  }
0x34: {  	[smem:$0x3FB2] =	sst s10  }
0x35: {  	s10 =	sld [smem:$0x3FB1];
	_ =	sdelay $0x3  }
0x36: {  	p1 =	seq.s32 s10, $0x1;
	s10 =	sld [smem:$0x3FB2];
	_ =	sdelay $0x3  }
0x37: {  	[smem:$0x3FB2] =	sst s10  }
0x38: {  	s10 =	sld [smem:$0x3FB3]  }
0x39: {  	_ = 	snop;
	(pc) =	sbr.ind lr, $3  }
0x3a: {  	_ = 	snop  }
0x3b: {  	_ = 	snop  }
0x3c: {  	p2 =	seq.s32 s10, $0x1;
	s10 =	sld [smem:$0x3FB2]  }
0x3d: {  	_ =	shalt  }
0x3e: {  	_ =	shalt  }
0x3f: {  	_ =	shalt  }
0x40: {  	_ =	shalt  }
0x41: {  	_ =	shalt  }
0x42: {  	_ =	shalt  }
0x43: {  	_ =	shalt  }
0x44: {  	_ =	shalt  }
0x45: {  	_ =	shalt  }
0x46: {  	_ =	shalt  }
0x47: {  	_ =	shalt  }
0x48: {  	_ =	shalt  }
0x49: {  	_ =	shalt  }
0x4a: {  	_ =	shalt  }
0x4b: {  	_ =	shalt  }
0x4c: {  	_ =	shalt  }
0x4d: {  	_ =	shalt  }
0x4e: {  	_ =	shalt  }
0x4f: {  	_ =	shalt  }
0x50: {  	_ =	shalt  }
0x51: {  	_ =	shalt  }
0x52: {  	_ =	shalt  }
0x53: {  	_ =	shalt  }
0x54: {  	_ =	shalt  }
0x55: {  	_ =	shalt  }
0x56: {  	_ =	shalt  }
0x57: {  	_ =	shalt  }
0x58: {  	_ =	shalt  }
0x59: {  	_ =	shalt  }
0x5a: {  	_ =	shalt  }
0x5b: {  	_ =	shalt  }
0x5c: {  	_ =	shalt  }
0x5d: {  	_ =	shalt  }
0x5e: {  	_ =	shalt  }
0x5f: {  	_ =	shalt  }
0x60: {  	_ =	shalt  }
0x61: {  	_ =	shalt  }
0x62: {  	_ =	shalt  }
0x63: {  	_ =	shalt  }
0x64: {  	_ =	shalt  }
0x65: {  	_ =	shalt  }
0x66: {  	_ =	shalt  }
0x67: {  	_ =	shalt  }
0x68: {  	_ =	shalt  }
0x69: {  	_ =	shalt  }
0x6a: {  	_ =	shalt  }
0x6b: {  	_ =	shalt  }
0x6c: {  	_ =	shalt  }
0x6d: {  	_ =	shalt  }
0x6e: {  	_ =	shalt  }
0x6f: {  	_ =	shalt  }
0x70: {  	_ =	shalt  }
0x71: {  	_ =	shalt  }
0x72: {  	_ =	shalt  }
0x73: {  	_ =	shalt  }
0x74: {  	_ =	shalt  }
0x75: {  	_ =	shalt  }
0x76: {  	_ =	shalt  }
0x77: {  	_ =	shalt  }
0x78: {  	_ =	shalt  }
0x79: {  	_ =	shalt  }
0x7a: {  	_ =	shalt  }
0x7b: {  	_ =	shalt  }
0x7c: {  	_ =	shalt  }
0x7d: {  	_ =	shalt  }
0x7e: {  	_ =	shalt  }
0x7f: {  	_ =	shalt  }
0x80: {  	_ =	shalt  }
0x81: {  	_ =	shalt  }
0x82: {  	_ =	shalt  }
0x83: {  	_ =	shalt  }
0x84: {  	_ =	shalt  }
0x85: {  	_ =	shalt  }
0x86: {  	_ =	shalt  }
0x87: {  	_ =	shalt  }
.Lfunc_end0:
.L_simem_size_0:
called_computation_lowered:
.L_overlay_start_0:
0x88: {  	s2 =	sld [smem:$0x3FD9]  }
0x89: {  	s3 =	sld [smem:$0x3FFE];
	_ =	sdelay $0x1  }
0x8a: {  	s1 =	srdreg.scid  }
0x8b: {  	s0 =	sand.u32 $0x1, s1  }
0x8c: {  	s17 =	sshll.u32 s0, $0xA;
	s2 =	sadd.s32 s3, s2  }
0x8d: {  	s2 =	sadd.s32 s2, s17  }
0x8e: {  	[smem:$0x3FBE] =	sst s2  }
0x8f: {  	_ = 	snop  }
0x90: {  	s2 =	sld [smem:$0x3FC8]  }
0x91: {  	s18 =	sld [smem:$0x3FC7];
	(tm) =	ssettm $0x1  }
0x92: {  	s4 =	sld [smem:$0x3FFB];
	_ =	sdelay $0x3  }
0x93: {  	_ =	strace s4  }
0x94: {  	s4 =	sld [smem:$0x3FFC];
	_ =	sdelay $0x3  }
0x95: {  	_ =	strace s4  }
0x96: {  	s4 =	sld [smem:$0x3FFD];
	_ =	sdelay $0x3  }
0x97: {  	_ =	strace s4  }
0x98: {  	_ =	strace $0x8FFFFFFF  }
0x99: {  	s19 =	sld [smem:$0x3FDB];
	_ =	sdelay $0x1  }
0x9a: {  	s5 =	simm.s32 $_scs_section_size  }
0x9b: {  	s6 =	simm.s32 $_size__tile_overlayer_lowered;
	s7 =	simm.s32 $_tile_overlayer_lowered  }
0x9c: {  	s22 =	simm.s32 $0x1BFF;
	s21 =	sshll.u32 s7, $0x1;
	s4 =	sadd.s32 s5, s19  }
0x9d: {  	s8 =	simm.s32 $0x0;
	s20 =	sshll.u32 s6, $0x1;
	s6 =	sadd.s32 s21, s4  }
0x9e: {  	[timem:s8], [sflag:s22] =	dma.local [hbm:s6], s20  }
0x9f: {  	_ =	swait.ge [sflag:s22], s20  }
0xa0: {  	s5 =	ssub.s32 $0x0, s20;
	[sflag:s22] =	ssyncset.done $0x0  }
0xa1: {  	[sflag:s22] =	ssyncadd.s32 s5;
	_ =	sdelay $0x1  }
0xa2: {  	s23 =	simm.s32 $0x1B8B  }
0xa3: {  	_ =	swait.ge [sflag:s23], $0x1  }
0xa4: {  	[sflag:s23] =	ssyncset.done $0x0  }
0xa5: {  	s25 =	simm.s32 $0x1B8E;
	s24 =	sld [smem:$0x3FFE];
	[sflag:s23] =	ssyncadd.s32 $0xFFFFFFFF  }
0xa6: {  	s26 =	simm.s32 $execute0_lowered;
	[smem:$0x3FD2] =	sst s25  }
0xa7: {  	s6 =	sshll.u32 s26, $0x1;
	_ =	strace $0x80000046;
	[dreg:$0x1] =	wrdreg $0xFFFFFFFF  }
0xa8: {  	s28 =	simm.s32 $_size_execute0_lowered;
	s4 =	sadd.s32 s4, s6;
	[dreg:$0x0] =	wrdreg $0x0  }
0xa9: {  	s6 =	sshll.u32 s28, $0x1;
	[dreg:$0x2] =	wrdreg s4  }
0xaa: {  	[dreg:$0x3] =	wrdreg s6  }
0xab: {  	[dreg:$0x4] =	wrdreg $0xC0  }
0xac: {  	_ =	task [dreg:s8], $0x5FFFF  }
0xad: {  	[dreg:$0x1] =	wrdreg $0xFFFFFFFF  }
0xae: {  	[dreg:$0x0] =	wrdreg $0x60  }
0xaf: {  	[dreg:$0x2] =	wrdreg s24  }
0xb0: {  	[dreg:$0x3] =	wrdreg s2  }
0xb1: {  	[dreg:$0x4] =	wrdreg s18  }
0xb2: {  	[dreg:$0x5] =	wrdreg $0x9  }
0xb3: {  	_ =	task.clear_ibuf [dreg:s8], $0x6FFFF;
	_ =	strace $0x90000046  }
0xb4: {  	s29 =	simm.s32 $0x9;
	_ =	strace $0x80000048  }
0xb5: {  	_ =	swait.ge [sflag:s29], $0x1  }
0xb6: {  	[sflag:s29] =	ssyncadd.s32 $0xFFFFFFFF  }
0xb7: {  	_ =	strace $0x90000048  }
0xb8: {  	_ =	sfence  }
0xb9: {  	s30 =	sld [smem:$0x0];
	_ =	sdelay $0x2  }
0xba: {  	s31 =	sshll.u32 s1, $0xD;
	s1 =	sshrl.u32 s1, $0x2  }
0xbb: {  	s3 =	sand.u32 $0x4000, s31;
	s1 =	sadd.s32 s1, s30  }
0xbc: {  	s0 =	sor.u32 s3, s0;
	s1 =	sshll.u32 s1, $0x11  }
0xbd: {  	s0 =	sor.u32 s1, s0  }
0xbe: {  	s0 =	sadd.s32 $0x8F2B, s0  }
0xbf: {  	[sflag:s0] =	ssyncadd.remote.s32 $0x1  }
0xc0: {  	_ =	sfence.sel $0xFFFF  }
0xc1: {  	[dreg:$0x0] =	wrdreg $0xFFFFFFFF;
	(pc) =	sbr.abs _section_cstart, $3  }
0xc2: {  	[dreg:$0x1] =	wrdreg $0xFFFFFFFF  }
0xc3: {  	_ =	task.clear_ibuf [dreg:s8], $0x2FFFF;
	_ =	strace $0x9FFFFFFF  }
0xc4: {  	(tm) =	ssettm $0x7FFFFFFF  }
0xc5: {  	_ =	shalt  }
tec
execute0_lowered:
.L_overlay_start_1:
0x0: {  	(tag) =	ssettag $0x1  }
0x1: {  	s5 =	rddreg [dreg:$0x0]  }
0x2: {  	s6 =	rddreg [dreg:$0x1]  }
0x3: {  	s7 =	rddreg [dreg:$0x2]  }
0x4: {  	s3 =	srdreg.scid;
	s2 =	simm.s32 $0x0;
	s0 =	stileid.u32  }
0x5: {  	s12 =	simm.s32 $0x1;
	s14 =	simm.s32 $0x2;
	s15 =	simm.s32 $0x0  }
0x6: {  	s8 =	sand.u32 $0x1, s3;
	[smem:$0x7FF] =	sst s2;
	s4 =	sshll.u32 s0, $0xA  }
0x7: {  	s3 =	sadd.s32 $0x1800, s5;
	s9 =	sshll.u32 s8, $0x9;
	_ =	strace $0x80000047  }
0x8: {  	s8 =	ssub.s32 $0x2, s8;
	s9 =	sor.u32 s9, s4;
	s4 =	sadd.s32 $0x5800, s5  }
0x9: {  	s30 =	sshrl.u32 s8, $0x1;
	s10 =	sshll.u32 s9, $0x4;
	s9 =	sshrl.u32 s9, $0x3  }
0xa: {  	s11 =	ssub.s32 s8, s30;
	s10 =	sadd.s32 s10, s5;
	s31 =	sadd.s32 s6, s9  }
0xb: {  	s6 =	sadd.s32 s7, s9;
	s9 =	smax.u32 s11, $0x1;
	[dreg:$0x4] =	wrdreg s31  }
0xc: {  	s7 =	sadd.s32 $0x6600, s10;
	s8 =	sadd.s32 $0x46600, s10;
	s10 =	simm.s32 $0x3  }
.LBB2_1:
0xd: {  	s0 =	rddreg [dreg:$0x4]  }
0xe: {  	[tilespmem:s2], [sflag:$0x3] =	stream.linear.gather [hbm4b:s0+s2], $0x200, $0x38;
	[tilespmem:$0x10400] =	vst v63  }
0xf: {  	_ =	swait.ge [sflag:s10], $0x200  }
0x10: {  	[sflag:s10] =	ssyncset.done $0x0  }
0x11: {  	s31 =	simm.s32 $0x200;
	[sflag:s10] =	ssyncadd.s32 $0xFFFFFE00  }
0x12: {  	[tilespmem:s31], [sflag:$0x3] =	stream.linear.gather [hbm4b:s6+s2], $0x200, $0x38;
	[tilespmem:$0x10400] =	vst v63  }
0x13: {  	_ =	swait.ge [sflag:s10], $0x200  }
0x14: {  	[sflag:s10] =	ssyncset.done $0x0  }
0x15: {  	[sflag:s10] =	ssyncadd.s32 $0xFFFFFE00  }
0x16: {  	v0 =	vld [tilespmem:s2+$0x0];
	_ =	sdelay $0x4  }
0x17: {  	v0 =	vshll.u32 v0, $0x4  }
0x18: {  	(v2sf) =	vpush v0, $0x0  }
0x19: {  	(v2sf) =	vpush v0, $0x1  }
0x1a: {  	(v2sf) =	vpush v0, $0x2;
	_ =	sdelay $0x1  }
0x1b: {  	(v2sf) =	vpush v0, $0x4;
	_ =	sdelay $0x1  }
0x1c: {  	(v2sf) =	vpush v0, $0x3  }
0x1d: {  	(v2sf) =	vpush v0, $0x5  }
0x1e: {  	s17 =	simm.s32 $0x2000;
	s16 =	simm.s32 $0x0;
	s18 =	simm.s32 $0x0;
	(v2sf) =	vpush v0, $0x6  }
.LBB2_2:
0x1f: {  	p0 =	sne.s32 s17, $0x3E000  }
0x20: {  	s29 =	sadd.s32 $0x480, s16;
	s22 =	sadd.s32 $0x980, s16;
	s19 =	smov.u32 s17  }
0x21: {  	s17 =	sadd.s32 $0x2000, s17;
	s25 =	sadd.s32 $0x780, s16;
	s20 =	sadd.s32 $0xA00, s16;
	(v2sf) =	vpush v0, $0x7  }
0x22: {  	s28 =	sadd.s32 $0x680, s16;
	s24 =	sadd.s32 $0x800, s16;
	s21 =	sadd.s32 $0xA80, s16  }
0x23: {  	s30 =	sadd.s32 $0x400, s16;
	s31 =	sadd.s32 $0x600, s16;
	(v2sf) =	vpush v0, $0x8  }
0x24: {  	s0 =	sadd.s32 $0x700, s16;
	s18 =	sadd.s32 $0x10, s18  }
0x25: {  	s1 =	sadd.s32 $0x500, s16;
	s23 =	sadd.s32 $0x900, s16;
	s26 =	spop (v2sf);
	(v2sf) =	vpush v0, $0x9  }
0x26: {  	s11 =	sand.u32 $0x1FFFFFF0, s26;
	s26 =	sadd.s32 $0x880, s16;
	s13 =	spop (v2sf)  }
0x27: {  	s11 =	sadd.s32 s3, s11;
	s13 =	sand.u32 $0x1FFFFFF0, s13;
	s5 =	spop (v2sf);
	(v2sf) =	vpush v0, $0xA  }
0x28: {  	[tilespmem:s30], [sflag:$0x1] =	stream.linear.gather [hbm4b:s11+s2], $0x80, $0x38;
	[tilespmem:$0x10400] =	vst v63  }
0x29: {  	s11 =	sadd.s32 s3, s13;
	s13 =	sadd.s32 $0x580, s16;
	s30 =	spop (v2sf);
	(v2sf) =	vpush v0, $0xB  }
0x2a: {  	[tilespmem:s29], [sflag:$0x1] =	stream.linear.gather [hbm4b:s11+s2], $0x80, $0x38;
	[tilespmem:$0x10400] =	vst v63  }
0x2b: {  	s5 =	sand.u32 $0x1FFFFFF0, s5;
	s11 =	sand.u32 $0x1FFFFFF0, s30;
	s29 =	spop (v2sf);
	(v2sf) =	vpush v0, $0xC  }
0x2c: {  	s5 =	sadd.s32 s3, s5;
	s29 =	sand.u32 $0x1FFFFFF0, s29;
	s30 =	spop (v2sf)  }
0x2d: {  	[tilespmem:s1], [sflag:$0x1] =	stream.linear.gather [hbm4b:s5+s2], $0x80, $0x38;
	(v2sf) =	vpush v0, $0xD;
	[tilespmem:$0x10400] =	vst v63  }
0x2e: {  	s1 =	sadd.s32 s3, s29;
	s5 =	sand.u32 $0x1FFFFFF0, s30;
	s29 =	spop (v2sf)  }
0x2f: {  	[tilespmem:s13], [sflag:$0x1] =	stream.linear.gather [hbm4b:s1+s2], $0x80, $0x38;
	(v2sf) =	vpush v0, $0xE;
	[tilespmem:$0x10400] =	vst v63  }
0x30: {  	s1 =	sadd.s32 s3, s11;
	s11 =	sand.u32 $0x1FFFFFF0, s29;
	s13 =	spop (v2sf)  }
0x31: {  	[tilespmem:s31], [sflag:$0x1] =	stream.linear.gather [hbm4b:s1+s2], $0x80, $0x38;
	(v2sf) =	vpush v0, $0xF;
	[tilespmem:$0x10400] =	vst v63  }
0x32: {  	s1 =	sadd.s32 s3, s5;
	s5 =	sand.u32 $0x1FFFFFF0, s13;
	s13 =	spop (v2sf)  }
0x33: {  	[tilespmem:s28], [sflag:$0x1] =	stream.linear.gather [hbm4b:s1+s2], $0x80, $0x38;
	[tilespmem:$0x10400] =	vst v63  }
0x34: {  	s1 =	sadd.s32 s3, s11;
	s11 =	sand.u32 $0x1FFFFFF0, s13;
	s13 =	spop (v2sf)  }
0x35: {  	[tilespmem:s0], [sflag:$0x1] =	stream.linear.gather [hbm4b:s1+s2], $0x80, $0x38;
	[tilespmem:$0x10400] =	vst v63  }
0x36: {  	s0 =	sadd.s32 s3, s5;
	s1 =	sand.u32 $0x1FFFFFF0, s13;
	s5 =	spop (v2sf)  }
0x37: {  	[tilespmem:s25], [sflag:$0x1] =	stream.linear.gather [hbm4b:s0+s2], $0x80, $0x38;
	[tilespmem:$0x10400] =	vst v63  }
0x38: {  	s0 =	sadd.s32 s3, s11;
	s5 =	sand.u32 $0x1FFFFFF0, s5;
	s11 =	spop (v2sf)  }
0x39: {  	[tilespmem:s24], [sflag:$0x1] =	stream.linear.gather [hbm4b:s0+s2], $0x80, $0x38;
	[tilespmem:$0x10400] =	vst v63  }
0x3a: {  	s0 =	sadd.s32 s3, s1;
	s1 =	sand.u32 $0x1FFFFFF0, s11;
	s11 =	spop (v2sf)  }
0x3b: {  	[tilespmem:s26], [sflag:$0x1] =	stream.linear.gather [hbm4b:s0+s2], $0x80, $0x38;
	[tilespmem:$0x10400] =	vst v63  }
0x3c: {  	s0 =	sadd.s32 s3, s5;
	s5 =	sand.u32 $0x1FFFFFF0, s11;
	s11 =	spop (v2sf)  }
0x3d: {  	[tilespmem:s23], [sflag:$0x1] =	stream.linear.gather [hbm4b:s0+s2], $0x80, $0x38;
	[tilespmem:$0x10400] =	vst v63  }
0x3e: {  	s0 =	sadd.s32 s3, s1;
	s1 =	sand.u32 $0x1FFFFFF0, s11;
	s11 =	spop (v2sf)  }
0x3f: {  	[tilespmem:s22], [sflag:$0x1] =	stream.linear.gather [hbm4b:s0+s2], $0x80, $0x38;
	[tilespmem:$0x10400] =	vst v63  }
0x40: {  	s0 =	sadd.s32 s3, s5;
	s5 =	sand.u32 $0x1FFFFFF0, s11;
	s11 =	spop (v2sf)  }
0x41: {  	[tilespmem:s20], [sflag:$0x1] =	stream.linear.gather [hbm4b:s0+s2], $0x80, $0x38;
	[tilespmem:$0x10400] =	vst v63  }
0x42: {  	s0 =	sadd.s32 s3, s1;
	s1 =	sand.u32 $0x1FFFFFF0, s11  }
0x43: {  	[tilespmem:s21], [sflag:$0x1] =	stream.linear.gather [hbm4b:s0+s2], $0x80, $0x38;
	[tilespmem:$0x10400] =	vst v63  }
0x44: {  	s5 =	sadd.s32 s3, s5;
	s0 =	sadd.s32 $0xB00, s16  }
0x45: {  	[tilespmem:s0], [sflag:$0x1] =	stream.linear.gather [hbm4b:s5+s2], $0x80, $0x38;
	[tilespmem:$0x10400] =	vst v63  }
0x46: {  	s1 =	sadd.s32 s3, s1;
	s0 =	sadd.s32 $0xB80, s16  }
0x47: {  	[tilespmem:s0], [sflag:$0x1] =	stream.linear.gather [hbm4b:s1+s2], $0x80, $0x38;
	[tilespmem:$0x10400] =	vst v63  }
0x48: {  	v0 =	vld [tilespmem:s18+$0x0];
	_ =	sdelay $0x4  }
0x49: {  	v0 =	vshll.u32 v0, $0x4  }
0x4a: {  	(v2sf) =	vpush v0, $0x0  }
0x4b: {  	(v2sf) =	vpush v0, $0x1  }
0x4c: {  	(v2sf) =	vpush v0, $0x2;
	_ =	sdelay $0x1  }
0x4d: {  	(v2sf) =	vpush v0, $0x4  }
.Ltmp0:
0x4e: {  	(pc) =	sbr.rel @p0 .LBB2_2-.Ltmp0, $3  }
0x4f: {  	(v2sf) =	vpush v0, $0x3  }
0x50: {  	(v2sf) =	vpush v0, $0x5;
	_ =	sdelay $0x1  }
0x51: {  	s16 =	sshra.s32 s19, $0x2;
	(v2sf) =	vpush v0, $0x6  }
0x52: {  	_ =	sdelay $0x1  }
0x53: {  	s0 =	sadd.s32 $0x480, s16;
	s19 =	sadd.s32 $0x980, s16  }
0x54: {  	s1 =	sadd.s32 $0x780, s16;
	s17 =	sadd.s32 $0xA00, s16;
	(v2sf) =	vpush v0, $0x7;
	s5 =	sadd.s32 $0x680, s16  }
0x55: {  	s11 =	sadd.s32 $0x800, s16;
	s18 =	sadd.s32 $0xA80, s16;
	s13 =	sadd.s32 $0x400, s16  }
0x56: {  	s20 =	sadd.s32 $0x600, s16;
	s21 =	sadd.s32 $0x700, s16;
	(v2sf) =	vpush v0, $0x8;
	s22 =	spop (v2sf)  }
0x57: {  	s23 =	sadd.s32 $0x500, s16;
	s22 =	sand.u32 $0x1FFFFFF0, s22;
	s24 =	spop (v2sf)  }
0x58: {  	(v2sf) =	vpush v0, $0x9;
	s22 =	sadd.s32 s3, s22;
	s24 =	sand.u32 $0x1FFFFFF0, s24;
	s25 =	spop (v2sf)  }
0x59: {  	[tilespmem:s13], [sflag:$0x1] =	stream.linear.gather [hbm4b:s22+s2], $0x80, $0x38;
	[tilespmem:$0x10400] =	vst v63  }
0x5a: {  	s26 =	sadd.s32 $0x580, s16;
	(v2sf) =	vpush v0, $0xA;
	s30 =	sadd.s32 s3, s24;
	s31 =	spop (v2sf)  }
0x5b: {  	[tilespmem:s0], [sflag:$0x1] =	stream.linear.gather [hbm4b:s30+s2], $0x80, $0x38;
	[tilespmem:$0x10400] =	vst v63  }
0x5c: {  	s13 =	sadd.s32 $0x900, s16;
	s28 =	sand.u32 $0x1FFFFFF0, s25;
	(v2sf) =	vpush v0, $0xB;
	s29 =	spop (v2sf)  }
0x5d: {  	s22 =	sadd.s32 s3, s28;
	s0 =	sadd.s32 $0x880, s16;
	s25 =	sand.u32 $0x1FFFFFF0, s29  }
0x5e: {  	(v2sf) =	vpush v0, $0xC;
	[tilespmem:s23], [sflag:$0x1] =	stream.linear.gather [hbm4b:s22+s2], $0x80, $0x38;
	[tilespmem:$0x10400] =	vst v63  }
0x5f: {  	s30 =	sand.u32 $0x1FFFFFF0, s31;
	s31 =	spop (v2sf);
	s28 =	sadd.s32 s3, s25  }
0x60: {  	(v2sf) =	vpush v0, $0xD;
	[tilespmem:s26], [sflag:$0x1] =	stream.linear.gather [hbm4b:s28+s2], $0x80, $0x38;
	[tilespmem:$0x10400] =	vst v63  }
0x61: {  	s22 =	sadd.s32 s3, s30;
	s23 =	sand.u32 $0x1FFFFFF0, s31;
	s29 =	spop (v2sf)  }
0x62: {  	(v2sf) =	vpush v0, $0xE;
	[tilespmem:s20], [sflag:$0x1] =	stream.linear.gather [hbm4b:s22+s2], $0x80, $0x38;
	[tilespmem:$0x10400] =	vst v63  }
0x63: {  	s23 =	sadd.s32 s3, s23;
	s30 =	sand.u32 $0x1FFFFFF0, s29;
	s31 =	spop (v2sf)  }
0x64: {  	(v2sf) =	vpush v0, $0xF;
	[tilespmem:s5], [sflag:$0x1] =	stream.linear.gather [hbm4b:s23+s2], $0x80, $0x38;
	[tilespmem:$0x10400] =	vst v63  }
0x65: {  	s24 =	sand.u32 $0x1FFFFFF0, s31;
	s25 =	spop (v2sf);
	s20 =	sadd.s32 s3, s30  }
0x66: {  	[tilespmem:s21], [sflag:$0x1] =	stream.linear.gather [hbm4b:s20+s2], $0x80, $0x38;
	[tilespmem:$0x10400] =	vst v63  }
0x67: {  	s26 =	sand.u32 $0x1FFFFFF0, s25;
	s5 =	sadd.s32 s3, s24;
	s28 =	spop (v2sf)  }
0x68: {  	[tilespmem:s1], [sflag:$0x1] =	stream.linear.gather [hbm4b:s5+s2], $0x80, $0x38;
	[tilespmem:$0x10400] =	vst v63  }
0x69: {  	s20 =	sadd.s32 s3, s26;
	s29 =	sand.u32 $0x1FFFFFF0, s28;
	s30 =	spop (v2sf)  }
0x6a: {  	[tilespmem:s11], [sflag:$0x1] =	stream.linear.gather [hbm4b:s20+s2], $0x80, $0x38;
	[tilespmem:$0x10400] =	vst v63  }
0x6b: {  	s5 =	sand.u32 $0x1FFFFFF0, s30;
	s1 =	sadd.s32 s3, s29;
	s31 =	spop (v2sf)  }
0x6c: {  	[tilespmem:s0], [sflag:$0x1] =	stream.linear.gather [hbm4b:s1+s2], $0x80, $0x38;
	[tilespmem:$0x10400] =	vst v63  }
0x6d: {  	s5 =	sadd.s32 s3, s5;
	s11 =	sand.u32 $0x1FFFFFF0, s31;
	s20 =	spop (v2sf)  }
0x6e: {  	[tilespmem:s13], [sflag:$0x1] =	stream.linear.gather [hbm4b:s5+s2], $0x80, $0x38;
	[tilespmem:$0x10400] =	vst v63  }
0x6f: {  	s0 =	sadd.s32 s3, s11;
	s1 =	sand.u32 $0x1FFFFFF0, s20;
	s21 =	spop (v2sf)  }
0x70: {  	[tilespmem:s19], [sflag:$0x1] =	stream.linear.gather [hbm4b:s0+s2], $0x80, $0x38;
	[tilespmem:$0x10400] =	vst v63  }
0x71: {  	s22 =	sand.u32 $0x1FFFFFF0, s21;
	s1 =	sadd.s32 s3, s1;
	s23 =	spop (v2sf)  }
0x72: {  	[tilespmem:s17], [sflag:$0x1] =	stream.linear.gather [hbm4b:s1+s2], $0x80, $0x38;
	[tilespmem:$0x10400] =	vst v63  }
0x73: {  	s24 =	sand.u32 $0x1FFFFFF0, s23;
	s25 =	spop (v2sf);
	s0 =	sadd.s32 s3, s22  }
0x74: {  	[tilespmem:s18], [sflag:$0x1] =	stream.linear.gather [hbm4b:s0+s2], $0x80, $0x38;
	[tilespmem:$0x10400] =	vst v63  }
0x75: {  	s28 =	sadd.s32 $0xB00, s16;
	s26 =	sand.u32 $0x1FFFFFF0, s25;
	s1 =	sadd.s32 s3, s24  }
0x76: {  	[tilespmem:s28], [sflag:$0x1] =	stream.linear.gather [hbm4b:s1+s2], $0x80, $0x38;
	[tilespmem:$0x10400] =	vst v63  }
0x77: {  	s29 =	sadd.s32 $0xB80, s16;
	s0 =	sadd.s32 s3, s26  }
0x78: {  	[tilespmem:s29], [sflag:$0x1] =	stream.linear.gather [hbm4b:s0+s2], $0x80, $0x38;
	[tilespmem:$0x10400] =	vst v63  }
0x79: {  	_ =	swait.ge [sflag:s12], $0x10000  }
0x7a: {  	[sflag:s12] =	ssyncset.done $0x0  }
0x7b: {  	s30 =	simm.s32 $0x0;
	s31 =	simm.s32 $0x400;
	[sflag:s12] =	ssyncadd.s32 $0xFFFF0000  }
0x7c: {  	[hbm4b:s7+s30] =	stream.linear.scatter [tilespmem:s31], [sflag:$0x2], $0x10000, $0x38;
	[tilespmem:$0x10400] =	vst v63  }
0x7d: {  	_ =	swait.ge [sflag:s14], $0x10000  }
0x7e: {  	[sflag:s14] =	ssyncset.done $0x0  }
0x7f: {  	s17 =	simm.s32 $0x200;
	[sflag:s14] =	ssyncadd.s32 $0xFFFF0000  }
0x80: {  	v0 =	vld [tilespmem:s17+$0x0];
	_ =	sdelay $0x4  }
0x81: {  	v0 =	vshll.u32 v0, $0x4  }
0x82: {  	(v2sf) =	vpush v0, $0x0  }
0x83: {  	(v2sf) =	vpush v0, $0x1  }
0x84: {  	(v2sf) =	vpush v0, $0x2;
	_ =	sdelay $0x1  }
0x85: {  	(v2sf) =	vpush v0, $0x4;
	_ =	sdelay $0x1  }
0x86: {  	(v2sf) =	vpush v0, $0x3  }
0x87: {  	(v2sf) =	vpush v0, $0x5  }
0x88: {  	s16 =	simm.s32 $0x0;
	s18 =	simm.s32 $0x2000;
	(v2sf) =	vpush v0, $0x6  }
.LBB2_4:
0x89: {  	p0 =	sne.s32 s18, $0x3E000  }
0x8a: {  	s0 =	sadd.s32 $0x480, s16;
	s22 =	sadd.s32 $0x980, s16;
	s19 =	smov.u32 s18  }
0x8b: {  	s18 =	sadd.s32 $0x2000, s18;
	s25 =	sadd.s32 $0x780, s16;
	s20 =	sadd.s32 $0xA00, s16;
	(v2sf) =	vpush v0, $0x7  }
0x8c: {  	s28 =	sadd.s32 $0x680, s16;
	s24 =	sadd.s32 $0x800, s16;
	s21 =	sadd.s32 $0xA80, s16  }
0x8d: {  	s1 =	sadd.s32 $0x400, s16;
	s5 =	sadd.s32 $0x600, s16;
	(v2sf) =	vpush v0, $0x8  }
0x8e: {  	s11 =	sadd.s32 $0x700, s16;
	s17 =	sadd.s32 $0x10, s17  }
0x8f: {  	s13 =	sadd.s32 $0x500, s16;
	s23 =	sadd.s32 $0x900, s16;
	s26 =	spop (v2sf);
	(v2sf) =	vpush v0, $0x9  }
0x90: {  	s29 =	sand.u32 $0x1FFFFFF0, s26;
	s26 =	sadd.s32 $0x880, s16;
	s30 =	spop (v2sf)  }
0x91: {  	s29 =	sadd.s32 s4, s29;
	s30 =	sand.u32 $0x1FFFFFF0, s30;
	s31 =	spop (v2sf);
	(v2sf) =	vpush v0, $0xA  }
0x92: {  	[tilespmem:s1], [sflag:$0x1] =	stream.linear.gather [hbm4b:s29+s2], $0x80, $0x38;
	[tilespmem:$0x10400] =	vst v63  }
0x93: {  	s1 =	sadd.s32 s4, s30;
	s29 =	sadd.s32 $0x580, s16;
	s30 =	spop (v2sf);
	(v2sf) =	vpush v0, $0xB  }
0x94: {  	[tilespmem:s0], [sflag:$0x1] =	stream.linear.gather [hbm4b:s1+s2], $0x80, $0x38;
	[tilespmem:$0x10400] =	vst v63  }
0x95: {  	s0 =	sand.u32 $0x1FFFFFF0, s31;
	s1 =	sand.u32 $0x1FFFFFF0, s30;
	s30 =	spop (v2sf);
	(v2sf) =	vpush v0, $0xC  }
0x96: {  	s0 =	sadd.s32 s4, s0;
	s30 =	sand.u32 $0x1FFFFFF0, s30;
	s31 =	spop (v2sf)  }
0x97: {  	[tilespmem:s13], [sflag:$0x1] =	stream.linear.gather [hbm4b:s0+s2], $0x80, $0x38;
	(v2sf) =	vpush v0, $0xD;
	[tilespmem:$0x10400] =	vst v63  }
0x98: {  	s0 =	sadd.s32 s4, s30;
	s13 =	sand.u32 $0x1FFFFFF0, s31;
	s30 =	spop (v2sf)  }
0x99: {  	[tilespmem:s29], [sflag:$0x1] =	stream.linear.gather [hbm4b:s0+s2], $0x80, $0x38;
	(v2sf) =	vpush v0, $0xE;
	[tilespmem:$0x10400] =	vst v63  }
0x9a: {  	s0 =	sadd.s32 s4, s1;
	s1 =	sand.u32 $0x1FFFFFF0, s30;
	s29 =	spop (v2sf)  }
0x9b: {  	[tilespmem:s5], [sflag:$0x1] =	stream.linear.gather [hbm4b:s0+s2], $0x80, $0x38;
	(v2sf) =	vpush v0, $0xF;
	[tilespmem:$0x10400] =	vst v63  }
0x9c: {  	s0 =	sadd.s32 s4, s13;
	s5 =	sand.u32 $0x1FFFFFF0, s29;
	s13 =	spop (v2sf)  }
0x9d: {  	[tilespmem:s28], [sflag:$0x1] =	stream.linear.gather [hbm4b:s0+s2], $0x80, $0x38;
	[tilespmem:$0x10400] =	vst v63  }
0x9e: {  	s0 =	sadd.s32 s4, s1;
	s1 =	sand.u32 $0x1FFFFFF0, s13;
	s13 =	spop (v2sf)  }
0x9f: {  	[tilespmem:s11], [sflag:$0x1] =	stream.linear.gather [hbm4b:s0+s2], $0x80, $0x38;
	[tilespmem:$0x10400] =	vst v63  }
0xa0: {  	s0 =	sadd.s32 s4, s5;
	s5 =	sand.u32 $0x1FFFFFF0, s13;
	s11 =	spop (v2sf)  }
0xa1: {  	[tilespmem:s25], [sflag:$0x1] =	stream.linear.gather [hbm4b:s0+s2], $0x80, $0x38;
	[tilespmem:$0x10400] =	vst v63  }
0xa2: {  	s0 =	sadd.s32 s4, s1;
	s1 =	sand.u32 $0x1FFFFFF0, s11;
	s11 =	spop (v2sf)  }
0xa3: {  	[tilespmem:s24], [sflag:$0x1] =	stream.linear.gather [hbm4b:s0+s2], $0x80, $0x38;
	[tilespmem:$0x10400] =	vst v63  }
0xa4: {  	s0 =	sadd.s32 s4, s5;
	s5 =	sand.u32 $0x1FFFFFF0, s11;
	s11 =	spop (v2sf)  }
0xa5: {  	[tilespmem:s26], [sflag:$0x1] =	stream.linear.gather [hbm4b:s0+s2], $0x80, $0x38;
	[tilespmem:$0x10400] =	vst v63  }
0xa6: {  	s0 =	sadd.s32 s4, s1;
	s1 =	sand.u32 $0x1FFFFFF0, s11;
	s11 =	spop (v2sf)  }
0xa7: {  	[tilespmem:s23], [sflag:$0x1] =	stream.linear.gather [hbm4b:s0+s2], $0x80, $0x38;
	[tilespmem:$0x10400] =	vst v63  }
0xa8: {  	s0 =	sadd.s32 s4, s5;
	s5 =	sand.u32 $0x1FFFFFF0, s11;
	s11 =	spop (v2sf)  }
0xa9: {  	[tilespmem:s22], [sflag:$0x1] =	stream.linear.gather [hbm4b:s0+s2], $0x80, $0x38;
	[tilespmem:$0x10400] =	vst v63  }
0xaa: {  	s0 =	sadd.s32 s4, s1;
	s1 =	sand.u32 $0x1FFFFFF0, s11;
	s11 =	spop (v2sf)  }
0xab: {  	[tilespmem:s20], [sflag:$0x1] =	stream.linear.gather [hbm4b:s0+s2], $0x80, $0x38;
	[tilespmem:$0x10400] =	vst v63  }
0xac: {  	s0 =	sadd.s32 s4, s5;
	s5 =	sand.u32 $0x1FFFFFF0, s11  }
0xad: {  	[tilespmem:s21], [sflag:$0x1] =	stream.linear.gather [hbm4b:s0+s2], $0x80, $0x38;
	[tilespmem:$0x10400] =	vst v63  }
0xae: {  	s1 =	sadd.s32 s4, s1;
	s0 =	sadd.s32 $0xB00, s16  }
0xaf: {  	[tilespmem:s0], [sflag:$0x1] =	stream.linear.gather [hbm4b:s1+s2], $0x80, $0x38;
	[tilespmem:$0x10400] =	vst v63  }
0xb0: {  	s0 =	sadd.s32 $0xB80, s16;
	s1 =	sadd.s32 s4, s5  }
0xb1: {  	[tilespmem:s0], [sflag:$0x1] =	stream.linear.gather [hbm4b:s1+s2], $0x80, $0x38;
	[tilespmem:$0x10400] =	vst v63  }
0xb2: {  	v0 =	vld [tilespmem:s17+$0x0];
	_ =	sdelay $0x4  }
0xb3: {  	v0 =	vshll.u32 v0, $0x4  }
0xb4: {  	(v2sf) =	vpush v0, $0x0  }
0xb5: {  	(v2sf) =	vpush v0, $0x1  }
0xb6: {  	(v2sf) =	vpush v0, $0x2;
	_ =	sdelay $0x1  }
0xb7: {  	(v2sf) =	vpush v0, $0x4  }
.Ltmp1:
0xb8: {  	(pc) =	sbr.rel @p0 .LBB2_4-.Ltmp1, $3  }
0xb9: {  	(v2sf) =	vpush v0, $0x3  }
0xba: {  	(v2sf) =	vpush v0, $0x5;
	_ =	sdelay $0x1  }
0xbb: {  	s16 =	sshra.s32 s19, $0x2;
	(v2sf) =	vpush v0, $0x6  }
0xbc: {  	_ =	sdelay $0x1  }
0xbd: {  	s0 =	sadd.s32 $0x480, s16;
	s19 =	sadd.s32 $0x980, s16  }
0xbe: {  	s1 =	sadd.s32 $0x780, s16;
	s17 =	sadd.s32 $0xA00, s16;
	(v2sf) =	vpush v0, $0x7;
	s5 =	sadd.s32 $0x680, s16  }
0xbf: {  	s11 =	sadd.s32 $0x800, s16;
	s18 =	sadd.s32 $0xA80, s16;
	s13 =	sadd.s32 $0x400, s16  }
0xc0: {  	s20 =	sadd.s32 $0x600, s16;
	s21 =	sadd.s32 $0x700, s16;
	(v2sf) =	vpush v0, $0x8;
	s22 =	spop (v2sf)  }
0xc1: {  	s23 =	sadd.s32 $0x500, s16;
	s22 =	sand.u32 $0x1FFFFFF0, s22;
	s24 =	spop (v2sf)  }
0xc2: {  	(v2sf) =	vpush v0, $0x9;
	s22 =	sadd.s32 s4, s22;
	s24 =	sand.u32 $0x1FFFFFF0, s24;
	s25 =	spop (v2sf)  }
0xc3: {  	[tilespmem:s13], [sflag:$0x1] =	stream.linear.gather [hbm4b:s22+s2], $0x80, $0x38;
	[tilespmem:$0x10400] =	vst v63  }
0xc4: {  	s26 =	sadd.s32 $0x580, s16;
	(v2sf) =	vpush v0, $0xA;
	s30 =	sadd.s32 s4, s24;
	s31 =	spop (v2sf)  }
0xc5: {  	[tilespmem:s0], [sflag:$0x1] =	stream.linear.gather [hbm4b:s30+s2], $0x80, $0x38;
	[tilespmem:$0x10400] =	vst v63  }
0xc6: {  	s13 =	sadd.s32 $0x900, s16;
	s28 =	sand.u32 $0x1FFFFFF0, s25;
	(v2sf) =	vpush v0, $0xB;
	s29 =	spop (v2sf)  }
0xc7: {  	s22 =	sadd.s32 s4, s28;
	s0 =	sadd.s32 $0x880, s16;
	s25 =	sand.u32 $0x1FFFFFF0, s29  }
0xc8: {  	(v2sf) =	vpush v0, $0xC;
	[tilespmem:s23], [sflag:$0x1] =	stream.linear.gather [hbm4b:s22+s2], $0x80, $0x38;
	[tilespmem:$0x10400] =	vst v63  }
0xc9: {  	s30 =	sand.u32 $0x1FFFFFF0, s31;
	s31 =	spop (v2sf);
	s28 =	sadd.s32 s4, s25  }
0xca: {  	(v2sf) =	vpush v0, $0xD;
	[tilespmem:s26], [sflag:$0x1] =	stream.linear.gather [hbm4b:s28+s2], $0x80, $0x38;
	[tilespmem:$0x10400] =	vst v63  }
0xcb: {  	s22 =	sadd.s32 s4, s30;
	s23 =	sand.u32 $0x1FFFFFF0, s31;
	s29 =	spop (v2sf)  }
0xcc: {  	(v2sf) =	vpush v0, $0xE;
	[tilespmem:s20], [sflag:$0x1] =	stream.linear.gather [hbm4b:s22+s2], $0x80, $0x38;
	[tilespmem:$0x10400] =	vst v63  }
0xcd: {  	s23 =	sadd.s32 s4, s23;
	s30 =	sand.u32 $0x1FFFFFF0, s29;
	s31 =	spop (v2sf)  }
0xce: {  	(v2sf) =	vpush v0, $0xF;
	[tilespmem:s5], [sflag:$0x1] =	stream.linear.gather [hbm4b:s23+s2], $0x80, $0x38;
	[tilespmem:$0x10400] =	vst v63  }
0xcf: {  	s24 =	sand.u32 $0x1FFFFFF0, s31;
	s25 =	spop (v2sf);
	s20 =	sadd.s32 s4, s30  }
0xd0: {  	[tilespmem:s21], [sflag:$0x1] =	stream.linear.gather [hbm4b:s20+s2], $0x80, $0x38;
	[tilespmem:$0x10400] =	vst v63  }
0xd1: {  	s26 =	sand.u32 $0x1FFFFFF0, s25;
	s5 =	sadd.s32 s4, s24;
	s28 =	spop (v2sf)  }
0xd2: {  	[tilespmem:s1], [sflag:$0x1] =	stream.linear.gather [hbm4b:s5+s2], $0x80, $0x38;
	[tilespmem:$0x10400] =	vst v63  }
0xd3: {  	s20 =	sadd.s32 s4, s26;
	s29 =	sand.u32 $0x1FFFFFF0, s28;
	s30 =	spop (v2sf)  }
0xd4: {  	[tilespmem:s11], [sflag:$0x1] =	stream.linear.gather [hbm4b:s20+s2], $0x80, $0x38;
	[tilespmem:$0x10400] =	vst v63  }
0xd5: {  	s5 =	sand.u32 $0x1FFFFFF0, s30;
	s1 =	sadd.s32 s4, s29;
	s31 =	spop (v2sf)  }
0xd6: {  	[tilespmem:s0], [sflag:$0x1] =	stream.linear.gather [hbm4b:s1+s2], $0x80, $0x38;
	[tilespmem:$0x10400] =	vst v63  }
0xd7: {  	s5 =	sadd.s32 s4, s5;
	s20 =	sand.u32 $0x1FFFFFF0, s31;
	s21 =	spop (v2sf)  }
0xd8: {  	[tilespmem:s13], [sflag:$0x1] =	stream.linear.gather [hbm4b:s5+s2], $0x80, $0x38;
	[tilespmem:$0x10400] =	vst v63  }
0xd9: {  	s0 =	sadd.s32 s4, s20;
	s1 =	sand.u32 $0x1FFFFFF0, s21;
	s22 =	spop (v2sf)  }
0xda: {  	[tilespmem:s19], [sflag:$0x1] =	stream.linear.gather [hbm4b:s0+s2], $0x80, $0x38;
	[tilespmem:$0x10400] =	vst v63  }
0xdb: {  	s23 =	sand.u32 $0x1FFFFFF0, s22;
	s1 =	sadd.s32 s4, s1;
	s24 =	spop (v2sf)  }
0xdc: {  	[tilespmem:s17], [sflag:$0x1] =	stream.linear.gather [hbm4b:s1+s2], $0x80, $0x38;
	[tilespmem:$0x10400] =	vst v63  }
0xdd: {  	s25 =	sand.u32 $0x1FFFFFF0, s24;
	s26 =	spop (v2sf);
	s0 =	sadd.s32 s4, s23  }
0xde: {  	[tilespmem:s18], [sflag:$0x1] =	stream.linear.gather [hbm4b:s0+s2], $0x80, $0x38;
	[tilespmem:$0x10400] =	vst v63  }
0xdf: {  	s29 =	sadd.s32 $0xB00, s16;
	s28 =	sand.u32 $0x1FFFFFF0, s26;
	s1 =	sadd.s32 s4, s25  }
0xe0: {  	[tilespmem:s29], [sflag:$0x1] =	stream.linear.gather [hbm4b:s1+s2], $0x80, $0x38;
	[tilespmem:$0x10400] =	vst v63  }
0xe1: {  	s30 =	sadd.s32 $0xB80, s16;
	s0 =	sadd.s32 s4, s28  }
0xe2: {  	[tilespmem:s30], [sflag:$0x1] =	stream.linear.gather [hbm4b:s0+s2], $0x80, $0x38;
	[tilespmem:$0x10400] =	vst v63  }
0xe3: {  	s15 =	sadd.s32 $0x1, s15;
	_ =	swait.ge [sflag:s12], $0x10000  }
0xe4: {  	p0 =	sne.s32 s15, s9;
	[sflag:s12] =	ssyncset.done $0x0  }
.Ltmp2:
0xe5: {  	s31 =	simm.s32 $0x400;
	[sflag:s12] =	ssyncadd.s32 $0xFFFF0000;
	(pc) =	sbr.rel @p0 .LBB2_1-.Ltmp2, $4  }
0xe6: {  	[hbm4b:s8+s2] =	stream.linear.scatter [tilespmem:s31], [sflag:$0x2], $0x10000, $0x38;
	[tilespmem:$0x10400] =	vst v63  }
0xe7: {  	_ =	swait.ge [sflag:s14], $0x10000  }
0xe8: {  	[sflag:s14] =	ssyncset.done $0x0  }
0xe9: {  	[sflag:s14] =	ssyncadd.s32 $0xFFFF0000  }
0xea: {  	_ =	sfence.sel $0x180000  }
0xeb: {  	[bflag:$0x0] =	sbarrier.arrive $0xFFFF  }
0xec: {  	_ =	strace $0x90000047  }
0xed: {  	s0 =	stileid.u32;
	[bflag:$0x2] =	sbarrier.arrive $0xFFFF  }
0xee: {  	p0 =	sne.s32 s0, $0x0;
	s0 =	rddreg [dreg:$0x3]  }
0xef: {  	s0 =	sadd.s32 @!p0 $0x100000, s0  }
0xf0: {  	[sflag:s0] =	ssyncadd.tile.s32 @!p0 $0x1;
	_ =	shalt  }
.Lfunc_end2:
_tile_overlayer_lowered:
.L_overlay_start_2:
0xf1: {  	(tag) =	ssettag $0x2  }
0xf2: {  	s0 =	rddreg [dreg:$0x0];
	s2 =	stileid.u32  }
0xf3: {  	s1 =	rddreg [dreg:$0x1];
	p0 =	sne.s32 s2, $0x0  }
0xf4: {  	s3 =	rddreg [dreg:$0x2];
	[bflag:$0x3] =	sbarrier.arrive $0xFFFF;
	s2 =	simm.s32 @!p0 $0x1C03  }
0xf5: {  	[timem:s3], [sflag:s2] =	dma.local @!p0 [hbm:s0], s1  }
0xf6: {  	s0 =	simm.s32 @!p0 $0x3  }
0xf7: {  	_ =	swait.ge @!p0 [sflag:s0], s1  }
0xf8: {  	s1 =	ssub.s32 @!p0 $0x0, s1;
	[sflag:s0] =	ssyncset.done @!p0 $0x0  }
0xf9: {  	[sflag:s0] =	ssyncadd.s32 @!p0 s1  }
0xfa: {  	[bflag:$0x3] =	sbarrier.arrive $0xFFFF  }
0xfb: {  	_ =	shalt  }

// kernel: kernel.8.cloned.1.call-start
scs
__scs_entry_jumppad:
0x0: {  	(pc) =	sbr.rel $0x88, $3  }
0x1: {  	(tag) =	ssettag $0x0;
	lr =	simm.s32 $0x1  }
0x2: {  	[smem:$0x3F97] =	sst lr;
	_ =	strace $0xD0000000  }
0x3: {  	_ = 	snop  }
0x4: {  	_ = 	snop  }
0x5: {  	_ = 	snop  }
0x6: {  	_ = 	snop  }
0x7: {  	_ = 	snop  }
__scs_overlays_trampoline_lowered:
0x8: {  	[smem:$0x3FA6] =	sst s0  }
0x9: {  	[smem:$0x3FA7] =	sst s1  }
0xa: {  	[smem:$0x3FA8] =	sst s2  }
0xb: {  	[smem:$0x3FA9] =	sst s3  }
0xc: {  	[smem:$0x3FAA] =	sst s4  }
0xd: {  	[smem:$0x3FAB] =	sst s5  }
0xe: {  	[smem:$0x3FAC] =	sst s6  }
0xf: {  	[smem:$0x3FAD] =	sst s7  }
0x10: {  	[smem:$0x3FAE] =	sst s8  }
0x11: {  	[smem:$0x3FAF] =	sst s9;
	s0 =	simm.s32 @!p0 $0x0  }
0x12: {  	s1 =	sld [smem:$0x3F95];
	s0 =	simm.s32 @p0 $0x1  }
0x13: {  	[smem:$0x3FB0] =	sst s0;
	s0 =	simm.s32 @!p1 $0x0  }
0x14: {  	s2 =	sld [smem:$0x3F94];
	s0 =	simm.s32 @p1 $0x1  }
0x15: {  	[smem:$0x3FB1] =	sst s0;
	s0 =	simm.s32 @!p2 $0x0  }
0x16: {  	s3 =	sld [smem:$0x3FDB];
	s0 =	simm.s32 @p2 $0x1  }
0x17: {  	s4 =	simm.s32 $0x1BF5;
	[smem:$0x3FB3] =	sst s0  }
0x18: {  	s0 =	sld [smem:$0x3F96];
	_ =	swait.ge [sflag:s4], $0x0  }
0x19: {  	s7 =	sld [smem:$0x3F97]  }
0x1a: {  	s8 =	sadd.s32 $0xFFFFE003, lr  }
0x1b: {  	s9 =	sadd.s32 $0xFFFFFEF7, lr;
	s5 =	simm.s32 $0xFFFFFFFF;
	p2 =	slt.u32 s8, $0xFFFFF086  }
0x1c: {  	p1 =	slt.u32 s9, $0xF7A;
	s5 =	simm.s32 @!p2 $0x0  }
0x1d: {  	s5 =	simm.s32 @p1 $0x1;
	p0 =	seq.s32 s7, s2  }
0x1e: {  	s7 =	smul.u32 @!p0 $0xF7A, s2;
	p2 =	seq.s32 @!p0 s5, $0x0  }
0x1f: {  	s9 =	smul.u32 $0xF7A, s1;
	s8 =	simm.s32 @!p0 $0x1BF5;
	p2 =	por !p2, p0  }
0x20: {  	[sflag:s8] =	ssyncset.s32 @!p0 $0xFFFFF086;
	s6 =	sadd.s32 @!p0 s3, s7;
	s7 =	simm.s32 @!p0 $0x108  }
0x21: {  	s3 =	sadd.s32 s3, s9;
	s6 =	sadd.s32 @!p0 $0x88, s6;
	s7 =	simm.s32 @p2 $0x1082  }
0x22: {  	[simem:s7], [sflag:s8] =	dma.local @!p0 [hbm:s6], $0xF7A  }
0x23: {  	s9 =	sor.u32 $0xD0000000, s2;
	s6 =	simm.s32 $0x108;
	_ =	swait.ge @!p0 [sflag:s8], $0x0  }
0x24: {  	s3 =	sadd.s32 $0x88, s3;
	s6 =	simm.s32 @!p1 $0x1082;
	[sflag:s4] =	ssyncset.s32 $0xFFFFF086  }
0x25: {  	[simem:s6], [sflag:s4] =	dma.local [hbm:s3], $0xF7A  }
0x26: {  	[smem:$0x3F97] =	sst s1;
	(tag) =	ssettag s2;
	_ =	strace s9  }
0x27: {  	s1 =	sld [smem:$0x3FA7]  }
0x28: {  	s2 =	sld [smem:$0x3FA8]  }
0x29: {  	s4 =	sld [smem:$0x3FAA]  }
0x2a: {  	p0 =	seq.s32 s5, $0x0;
	s5 =	sld [smem:$0x3FAB]  }
0x2b: {  	s6 =	sld [smem:$0x3FAC]  }
0x2c: {  	s7 =	sld [smem:$0x3FAD]  }
0x2d: {  	s3 =	simm.s32 $0x108;
	s8 =	sld [smem:$0x3FAE]  }
0x2e: {  	s3 =	simm.s32 @!p0 $0x1082;
	s9 =	sld [smem:$0x3FAF]  }
0x2f: {  	lr =	sadd.s32 s0, s3;
	s0 =	sld [smem:$0x3FA6]  }
0x30: {  	s3 =	sld [smem:$0x3FA9]  }
0x31: {  	[smem:$0x3FB2] =	sst s10  }
0x32: {  	s10 =	sld [smem:$0x3FB0];
	_ =	sdelay $0x3  }
0x33: {  	p0 =	seq.s32 s10, $0x1;
	s10 =	sld [smem:$0x3FB2];
	_ =	sdelay $0x3  }
0x34: {  	[smem:$0x3FB2] =	sst s10  }
0x35: {  	s10 =	sld [smem:$0x3FB1];
	_ =	sdelay $0x3  }
0x36: {  	p1 =	seq.s32 s10, $0x1;
	s10 =	sld [smem:$0x3FB2];
	_ =	sdelay $0x3  }
0x37: {  	[smem:$0x3FB2] =	sst s10  }
0x38: {  	s10 =	sld [smem:$0x3FB3]  }
0x39: {  	_ = 	snop;
	(pc) =	sbr.ind lr, $3  }
0x3a: {  	_ = 	snop  }
0x3b: {  	_ = 	snop  }
0x3c: {  	p2 =	seq.s32 s10, $0x1;
	s10 =	sld [smem:$0x3FB2]  }
0x3d: {  	_ =	shalt  }
0x3e: {  	_ =	shalt  }
0x3f: {  	_ =	shalt  }
0x40: {  	_ =	shalt  }
0x41: {  	_ =	shalt  }
0x42: {  	_ =	shalt  }
0x43: {  	_ =	shalt  }
0x44: {  	_ =	shalt  }
0x45: {  	_ =	shalt  }
0x46: {  	_ =	shalt  }
0x47: {  	_ =	shalt  }
0x48: {  	_ =	shalt  }
0x49: {  	_ =	shalt  }
0x4a: {  	_ =	shalt  }
0x4b: {  	_ =	shalt  }
0x4c: {  	_ =	shalt  }
0x4d: {  	_ =	shalt  }
0x4e: {  	_ =	shalt  }
0x4f: {  	_ =	shalt  }
0x50: {  	_ =	shalt  }
0x51: {  	_ =	shalt  }
0x52: {  	_ =	shalt  }
0x53: {  	_ =	shalt  }
0x54: {  	_ =	shalt  }
0x55: {  	_ =	shalt  }
0x56: {  	_ =	shalt  }
0x57: {  	_ =	shalt  }
0x58: {  	_ =	shalt  }
0x59: {  	_ =	shalt  }
0x5a: {  	_ =	shalt  }
0x5b: {  	_ =	shalt  }
0x5c: {  	_ =	shalt  }
0x5d: {  	_ =	shalt  }
0x5e: {  	_ =	shalt  }
0x5f: {  	_ =	shalt  }
0x60: {  	_ =	shalt  }
0x61: {  	_ =	shalt  }
0x62: {  	_ =	shalt  }
0x63: {  	_ =	shalt  }
0x64: {  	_ =	shalt  }
0x65: {  	_ =	shalt  }
0x66: {  	_ =	shalt  }
0x67: {  	_ =	shalt  }
0x68: {  	_ =	shalt  }
0x69: {  	_ =	shalt  }
0x6a: {  	_ =	shalt  }
0x6b: {  	_ =	shalt  }
0x6c: {  	_ =	shalt  }
0x6d: {  	_ =	shalt  }
0x6e: {  	_ =	shalt  }
0x6f: {  	_ =	shalt  }
0x70: {  	_ =	shalt  }
0x71: {  	_ =	shalt  }
0x72: {  	_ =	shalt  }
0x73: {  	_ =	shalt  }
0x74: {  	_ =	shalt  }
0x75: {  	_ =	shalt  }
0x76: {  	_ =	shalt  }
0x77: {  	_ =	shalt  }
0x78: {  	_ =	shalt  }
0x79: {  	_ =	shalt  }
0x7a: {  	_ =	shalt  }
0x7b: {  	_ =	shalt  }
0x7c: {  	_ =	shalt  }
0x7d: {  	_ =	shalt  }
0x7e: {  	_ =	shalt  }
0x7f: {  	_ =	shalt  }
0x80: {  	_ =	shalt  }
0x81: {  	_ =	shalt  }
0x82: {  	_ =	shalt  }
0x83: {  	_ =	shalt  }
0x84: {  	_ =	shalt  }
0x85: {  	_ =	shalt  }
0x86: {  	_ =	shalt  }
0x87: {  	_ =	shalt  }
.Lfunc_end0:
.L_simem_size_0:
called_computation.1_lowered:
.L_overlay_start_0:
0x88: {  	s2 =	sld [smem:$0x3FD9]  }
0x89: {  	s3 =	sld [smem:$0x3FFE];
	_ =	sdelay $0x1  }
0x8a: {  	s1 =	srdreg.scid  }
0x8b: {  	s0 =	sand.u32 $0x1, s1  }
0x8c: {  	s17 =	sshll.u32 s0, $0xA;
	s2 =	sadd.s32 s3, s2  }
0x8d: {  	s2 =	sadd.s32 s2, s17  }
0x8e: {  	[smem:$0x3FBE] =	sst s2  }
0x8f: {  	_ = 	snop  }
0x90: {  	s18 =	sld [smem:$0x3FC9];
	(tm) =	ssettm $0x1  }
0x91: {  	s19 =	sld [smem:$0x3FFB];
	_ =	sdelay $0x3  }
0x92: {  	_ =	strace s19  }
0x93: {  	s2 =	sld [smem:$0x3FFC];
	_ =	sdelay $0x3  }
0x94: {  	_ =	strace s2  }
0x95: {  	s2 =	sld [smem:$0x3FFD];
	_ =	sdelay $0x3  }
0x96: {  	_ =	strace s2  }
0x97: {  	_ =	strace $0x8FFFFFFF  }
0x98: {  	s20 =	sld [smem:$0x3FDB];
	_ =	sdelay $0x1  }
0x99: {  	s4 =	simm.s32 $_scs_section_size  }
0x9a: {  	s5 =	simm.s32 $_size__tile_overlayer_lowered;
	s6 =	simm.s32 $_tile_overlayer_lowered  }
0x9b: {  	s7 =	simm.s32 $0x1BFF;
	s21 =	sshll.u32 s6, $0x1;
	s4 =	sadd.s32 s4, s20  }
0x9c: {  	s22 =	simm.s32 $0x0;
	s5 =	sshll.u32 s5, $0x1;
	s6 =	sadd.s32 s21, s4  }
0x9d: {  	[timem:s22], [sflag:s7] =	dma.local [hbm:s6], s5  }
0x9e: {  	_ =	swait.ge [sflag:s7], s5  }
0x9f: {  	s5 =	ssub.s32 $0x0, s5;
	[sflag:s7] =	ssyncset.done $0x0  }
0xa0: {  	[sflag:s7] =	ssyncadd.s32 s5;
	_ =	sdelay $0x1  }
0xa1: {  	s23 =	simm.s32 $0x1B8B  }
0xa2: {  	_ =	swait.ge [sflag:s23], $0x1  }
0xa3: {  	[sflag:s23] =	ssyncset.done $0x0  }
0xa4: {  	[sflag:s23] =	ssyncadd.s32 $0xFFFFFFFF  }
0xa5: {  	s5 =	sld [smem:$0x0]  }
0xa6: {  	s6 =	sand.u32 $0xFFFFFFFE, s1  }
0xa7: {  	p0 =	sne.s32 s1, s6  }
0xa8: {  	s6 =	sshll.u32 @p0 s6, $0xE  }
0xa9: {  	s6 =	sadd.s32 @p0 $0x11B8D, s6;
	s7 =	sshll.u32 @p0 s5, $0x11  }
0xaa: {  	s6 =	sor.u32 @p0 s7, s6  }
0xab: {  	[sflag:s6] =	ssyncadd.remote.s32 @p0 $0x1;
	_ =	sdelay $0x1  }
0xac: {  	s6 =	simm.s32 @p0 $0x1B8D  }
0xad: {  	_ =	swait.eq @p0 [sflag:s6], $0x1  }
0xae: {  	[sflag:s6] =	ssyncadd.s32 @p0 $0xFFFFFFFF  }
0xaf: {  	s7 =	sshll.u32 @!p0 s1, $0xE  }
0xb0: {  	s7 =	sor.u32 @!p0 $0x4000, s7;
	s6 =	simm.s32 @!p0 $0x1B8D  }
0xb1: {  	s5 =	sshll.u32 @!p0 s5, $0x11;
	s7 =	sadd.s32 @!p0 $0x11B8D, s7;
	_ =	swait.eq @!p0 [sflag:s6], $0x1  }
0xb2: {  	s5 =	sor.u32 @!p0 s5, s7;
	[sflag:s6] =	ssyncadd.s32 @!p0 $0xFFFFFFFF  }
0xb3: {  	s25 =	simm.s32 $0x1B8E;
	s24 =	sld [smem:$0x3FFE];
	[sflag:s5] =	ssyncadd.remote.s32 @!p0 $0x1  }
0xb4: {  	s26 =	simm.s32 $execute0_lowered;
	[smem:$0x3FD2] =	sst s25  }
0xb5: {  	s6 =	sshll.u32 s26, $0x1;
	_ =	strace $0x80000049;
	[dreg:$0x1] =	wrdreg $0xFFFFFFFF  }
0xb6: {  	s28 =	simm.s32 $_size_execute0_lowered;
	s4 =	sadd.s32 s4, s6;
	[dreg:$0x0] =	wrdreg $0x0  }
0xb7: {  	s6 =	sshll.u32 s28, $0x1;
	[dreg:$0x2] =	wrdreg s4  }
0xb8: {  	[dreg:$0x3] =	wrdreg s6  }
0xb9: {  	[dreg:$0x4] =	wrdreg $0xC0  }
0xba: {  	_ =	task [dreg:s22], $0x5FFFF  }
0xbb: {  	[dreg:$0x1] =	wrdreg $0xFFFFFFFF  }
0xbc: {  	[dreg:$0x0] =	wrdreg $0x60  }
0xbd: {  	[dreg:$0x2] =	wrdreg s24  }
0xbe: {  	[dreg:$0x3] =	wrdreg s18  }
0xbf: {  	[dreg:$0x4] =	wrdreg $0xA  }
0xc0: {  	_ =	task.clear_ibuf [dreg:s22], $0x5FFFF;
	_ =	strace $0x90000049  }
0xc1: {  	s29 =	simm.s32 $0xA;
	_ =	strace $0x8000004B  }
0xc2: {  	_ =	swait.ge [sflag:s29], $0x1  }
0xc3: {  	[sflag:s29] =	ssyncadd.s32 $0xFFFFFFFF  }
0xc4: {  	_ =	strace $0x9000004B  }
0xc5: {  	_ =	sfence  }
0xc6: {  	s30 =	sld [smem:$0x0];
	_ =	sdelay $0x2  }
0xc7: {  	s31 =	sshll.u32 s1, $0xD;
	s1 =	sshrl.u32 s1, $0x2  }
0xc8: {  	s4 =	sand.u32 $0x4000, s31;
	s1 =	sadd.s32 s1, s30  }
0xc9: {  	s0 =	sor.u32 s4, s0;
	s1 =	sshll.u32 s1, $0x11  }
0xca: {  	s0 =	sor.u32 s1, s0  }
0xcb: {  	s0 =	sadd.s32 $0x8F2B, s0  }
0xcc: {  	[sflag:s0] =	ssyncadd.remote.s32 $0x1  }
0xcd: {  	_ =	sfence.sel $0xFFFF  }
0xce: {  	[dreg:$0x0] =	wrdreg $0xFFFFFFFF;
	(pc) =	sbr.abs _section_cstart, $3  }
0xcf: {  	[dreg:$0x1] =	wrdreg $0xFFFFFFFF  }
0xd0: {  	_ =	task.clear_ibuf [dreg:s22], $0x2FFFF;
	_ =	strace $0x9FFFFFFF  }
0xd1: {  	(tm) =	ssettm $0x7FFFFFFF  }
tec
execute0_lowered:
.L_overlay_start_1:
0x0: {  	(tag) =	ssettag $0x1  }
0x1: {  	s4 =	rddreg [dreg:$0x0]  }
0x2: {  	s5 =	rddreg [dreg:$0x1]  }
0x3: {  	s3 =	srdreg.scid;
	s2 =	simm.s32 $0x0;
	s1 =	stileid.u32  }
0x4: {  	s9 =	simm.s32 $0x200;
	s10 =	simm.s32 $0x2;
	s11 =	simm.s32 $0x0  }
0x5: {  	s6 =	sand.u32 $0x1, s3;
	[smem:$0x7FF] =	sst s2;
	s30 =	sshll.u32 s1, $0xA  }
0x6: {  	s3 =	sadd.s32 $0x86600, s4;
	s7 =	sshll.u32 s6, $0x9;
	s6 =	ssub.s32 $0x2, s6  }
0x7: {  	_ =	strace $0x8000004A;
	s7 =	sor.u32 s7, s30;
	s31 =	sshrl.u32 s6, $0x1  }
0x8: {  	s8 =	sshll.u32 s7, $0x4;
	s7 =	sshrl.u32 s7, $0x3;
	s6 =	ssub.s32 s6, s31  }
0x9: {  	s8 =	sadd.s32 s8, s4;
	s4 =	sadd.s32 s5, s7;
	s6 =	smax.u32 s6, $0x1  }
0xa: {  	s7 =	simm.s32 $0x3;
	s5 =	sadd.s32 $0xFC8A00, s8;
	s8 =	simm.s32 $0x1  }
.LBB2_1:
0xb: {  	[tilespmem:s2], [sflag:$0x3] =	stream.linear.gather [hbm4b:s4+s2], $0x200, $0x38;
	[tilespmem:$0x10200] =	vst v63  }
0xc: {  	_ =	swait.ge [sflag:s7], $0x200  }
0xd: {  	[sflag:s7] =	ssyncset.done $0x0  }
0xe: {  	[sflag:s7] =	ssyncadd.s32 $0xFFFFFE00  }
0xf: {  	v0 =	vld [tilespmem:s2+$0x0];
	_ =	sdelay $0x4  }
0x10: {  	v0 =	vshll.u32 v0, $0x4  }
0x11: {  	(v2sf) =	vpush v0, $0x0  }
0x12: {  	(v2sf) =	vpush v0, $0x1  }
0x13: {  	(v2sf) =	vpush v0, $0x2;
	_ =	sdelay $0x1  }
0x14: {  	(v2sf) =	vpush v0, $0x4;
	_ =	sdelay $0x1  }
0x15: {  	(v2sf) =	vpush v0, $0x3  }
0x16: {  	(v2sf) =	vpush v0, $0x5  }
0x17: {  	s13 =	simm.s32 $0x2000;
	s12 =	simm.s32 $0x0;
	s14 =	simm.s32 $0x0;
	(v2sf) =	vpush v0, $0x6  }
.LBB2_2:
0x18: {  	p0 =	sne.s32 s13, $0x3E000  }
0x19: {  	s24 =	sadd.s32 $0x280, s12;
	s18 =	sadd.s32 $0x780, s12;
	s15 =	smov.u32 s13  }
0x1a: {  	s13 =	sadd.s32 $0x2000, s13;
	s21 =	sadd.s32 $0x580, s12;
	s16 =	sadd.s32 $0x800, s12;
	(v2sf) =	vpush v0, $0x7  }
0x1b: {  	s23 =	sadd.s32 $0x480, s12;
	s20 =	sadd.s32 $0x600, s12;
	s17 =	sadd.s32 $0x880, s12  }
0x1c: {  	s25 =	sadd.s32 $0x200, s12;
	s26 =	sadd.s32 $0x400, s12;
	(v2sf) =	vpush v0, $0x8  }
0x1d: {  	s28 =	sadd.s32 $0x500, s12;
	s14 =	sadd.s32 $0x10, s14  }
0x1e: {  	s29 =	sadd.s32 $0x300, s12;
	s19 =	sadd.s32 $0x700, s12;
	s22 =	spop (v2sf);
	(v2sf) =	vpush v0, $0x9  }
0x1f: {  	s30 =	sand.u32 $0x1FFFFFF0, s22;
	s22 =	sadd.s32 $0x680, s12;
	s31 =	spop (v2sf)  }
0x20: {  	s30 =	sadd.s32 s3, s30;
	s31 =	sand.u32 $0x1FFFFFF0, s31;
	s0 =	spop (v2sf);
	(v2sf) =	vpush v0, $0xA  }
0x21: {  	[tilespmem:s25], [sflag:$0x1] =	stream.linear.gather [hbm4b:s30+s2], $0x80, $0x38;
	[tilespmem:$0x10200] =	vst v63  }
0x22: {  	s25 =	sadd.s32 s3, s31;
	s30 =	sadd.s32 $0x380, s12;
	s31 =	spop (v2sf);
	(v2sf) =	vpush v0, $0xB  }
0x23: {  	[tilespmem:s24], [sflag:$0x1] =	stream.linear.gather [hbm4b:s25+s2], $0x80, $0x38;
	[tilespmem:$0x10200] =	vst v63  }
0x24: {  	s0 =	sand.u32 $0x1FFFFFF0, s0;
	s24 =	sand.u32 $0x1FFFFFF0, s31;
	s25 =	spop (v2sf);
	(v2sf) =	vpush v0, $0xC  }
0x25: {  	s0 =	sadd.s32 s3, s0;
	s25 =	sand.u32 $0x1FFFFFF0, s25;
	s31 =	spop (v2sf)  }
0x26: {  	[tilespmem:s29], [sflag:$0x1] =	stream.linear.gather [hbm4b:s0+s2], $0x80, $0x38;
	(v2sf) =	vpush v0, $0xD;
	[tilespmem:$0x10200] =	vst v63  }
0x27: {  	s0 =	sadd.s32 s3, s25;
	s25 =	sand.u32 $0x1FFFFFF0, s31;
	s29 =	spop (v2sf)  }
0x28: {  	[tilespmem:s30], [sflag:$0x1] =	stream.linear.gather [hbm4b:s0+s2], $0x80, $0x38;
	(v2sf) =	vpush v0, $0xE;
	[tilespmem:$0x10200] =	vst v63  }
0x29: {  	s0 =	sadd.s32 s3, s24;
	s24 =	sand.u32 $0x1FFFFFF0, s29;
	s29 =	spop (v2sf)  }
0x2a: {  	[tilespmem:s26], [sflag:$0x1] =	stream.linear.gather [hbm4b:s0+s2], $0x80, $0x38;
	(v2sf) =	vpush v0, $0xF;
	[tilespmem:$0x10200] =	vst v63  }
0x2b: {  	s0 =	sadd.s32 s3, s25;
	s25 =	sand.u32 $0x1FFFFFF0, s29;
	s26 =	spop (v2sf)  }
0x2c: {  	[tilespmem:s23], [sflag:$0x1] =	stream.linear.gather [hbm4b:s0+s2], $0x80, $0x38;
	[tilespmem:$0x10200] =	vst v63  }
0x2d: {  	s0 =	sadd.s32 s3, s24;
	s23 =	sand.u32 $0x1FFFFFF0, s26;
	s24 =	spop (v2sf)  }
0x2e: {  	[tilespmem:s28], [sflag:$0x1] =	stream.linear.gather [hbm4b:s0+s2], $0x80, $0x38;
	[tilespmem:$0x10200] =	vst v63  }
0x2f: {  	s0 =	sadd.s32 s3, s25;
	s24 =	sand.u32 $0x1FFFFFF0, s24;
	s25 =	spop (v2sf)  }
0x30: {  	[tilespmem:s21], [sflag:$0x1] =	stream.linear.gather [hbm4b:s0+s2], $0x80, $0x38;
	[tilespmem:$0x10200] =	vst v63  }
0x31: {  	s0 =	sadd.s32 s3, s23;
	s21 =	sand.u32 $0x1FFFFFF0, s25;
	s23 =	spop (v2sf)  }
0x32: {  	[tilespmem:s20], [sflag:$0x1] =	stream.linear.gather [hbm4b:s0+s2], $0x80, $0x38;
	[tilespmem:$0x10200] =	vst v63  }
0x33: {  	s0 =	sadd.s32 s3, s24;
	s20 =	sand.u32 $0x1FFFFFF0, s23;
	s23 =	spop (v2sf)  }
0x34: {  	[tilespmem:s22], [sflag:$0x1] =	stream.linear.gather [hbm4b:s0+s2], $0x80, $0x38;
	[tilespmem:$0x10200] =	vst v63  }
0x35: {  	s0 =	sadd.s32 s3, s21;
	s21 =	sand.u32 $0x1FFFFFF0, s23;
	s22 =	spop (v2sf)  }
0x36: {  	[tilespmem:s19], [sflag:$0x1] =	stream.linear.gather [hbm4b:s0+s2], $0x80, $0x38;
	[tilespmem:$0x10200] =	vst v63  }
0x37: {  	s0 =	sadd.s32 s3, s20;
	s19 =	sand.u32 $0x1FFFFFF0, s22;
	s20 =	spop (v2sf)  }
0x38: {  	[tilespmem:s18], [sflag:$0x1] =	stream.linear.gather [hbm4b:s0+s2], $0x80, $0x38;
	[tilespmem:$0x10200] =	vst v63  }
0x39: {  	s0 =	sadd.s32 s3, s21;
	s18 =	sand.u32 $0x1FFFFFF0, s20;
	s20 =	spop (v2sf)  }
0x3a: {  	[tilespmem:s16], [sflag:$0x1] =	stream.linear.gather [hbm4b:s0+s2], $0x80, $0x38;
	[tilespmem:$0x10200] =	vst v63  }
0x3b: {  	s0 =	sadd.s32 s3, s19;
	s16 =	sand.u32 $0x1FFFFFF0, s20  }
0x3c: {  	[tilespmem:s17], [sflag:$0x1] =	stream.linear.gather [hbm4b:s0+s2], $0x80, $0x38;
	[tilespmem:$0x10200] =	vst v63  }
0x3d: {  	s0 =	sadd.s32 $0x900, s12;
	s17 =	sadd.s32 s3, s18  }
0x3e: {  	[tilespmem:s0], [sflag:$0x1] =	stream.linear.gather [hbm4b:s17+s2], $0x80, $0x38;
	[tilespmem:$0x10200] =	vst v63  }
0x3f: {  	s0 =	sadd.s32 $0x980, s12;
	s12 =	sadd.s32 s3, s16  }
0x40: {  	[tilespmem:s0], [sflag:$0x1] =	stream.linear.gather [hbm4b:s12+s2], $0x80, $0x38;
	[tilespmem:$0x10200] =	vst v63  }
0x41: {  	v0 =	vld [tilespmem:s14+$0x0];
	_ =	sdelay $0x4  }
0x42: {  	v0 =	vshll.u32 v0, $0x4  }
0x43: {  	(v2sf) =	vpush v0, $0x0  }
0x44: {  	(v2sf) =	vpush v0, $0x1  }
0x45: {  	(v2sf) =	vpush v0, $0x2;
	_ =	sdelay $0x1  }
0x46: {  	(v2sf) =	vpush v0, $0x4  }
.Ltmp0:
0x47: {  	(pc) =	sbr.rel @p0 .LBB2_2-.Ltmp0, $3  }
0x48: {  	(v2sf) =	vpush v0, $0x3  }
0x49: {  	(v2sf) =	vpush v0, $0x5;
	_ =	sdelay $0x1  }
0x4a: {  	s12 =	sshra.s32 s15, $0x2;
	(v2sf) =	vpush v0, $0x6  }
0x4b: {  	_ =	sdelay $0x1  }
0x4c: {  	s0 =	sadd.s32 $0x280, s12;
	s15 =	sadd.s32 $0x780, s12  }
0x4d: {  	s16 =	sadd.s32 $0x580, s12;
	s13 =	sadd.s32 $0x800, s12;
	(v2sf) =	vpush v0, $0x7;
	s17 =	sadd.s32 $0x480, s12  }
0x4e: {  	s18 =	sadd.s32 $0x600, s12;
	s14 =	sadd.s32 $0x880, s12;
	s19 =	sadd.s32 $0x200, s12  }
0x4f: {  	s20 =	sadd.s32 $0x400, s12;
	s21 =	sadd.s32 $0x500, s12;
	(v2sf) =	vpush v0, $0x8;
	s22 =	spop (v2sf)  }
0x50: {  	s23 =	sadd.s32 $0x300, s12;
	s22 =	sand.u32 $0x1FFFFFF0, s22;
	s24 =	spop (v2sf)  }
0x51: {  	(v2sf) =	vpush v0, $0x9;
	s22 =	sadd.s32 s3, s22;
	s24 =	sand.u32 $0x1FFFFFF0, s24;
	s25 =	spop (v2sf)  }
0x52: {  	[tilespmem:s19], [sflag:$0x1] =	stream.linear.gather [hbm4b:s22+s2], $0x80, $0x38;
	[tilespmem:$0x10200] =	vst v63  }
0x53: {  	(v2sf) =	vpush v0, $0xA;
	s26 =	sadd.s32 s3, s24;
	s29 =	sand.u32 $0x1FFFFFF0, s25;
	s28 =	spop (v2sf)  }
0x54: {  	[tilespmem:s0], [sflag:$0x1] =	stream.linear.gather [hbm4b:s26+s2], $0x80, $0x38;
	[tilespmem:$0x10200] =	vst v63  }
0x55: {  	s19 =	sadd.s32 $0x700, s12;
	(v2sf) =	vpush v0, $0xB;
	s22 =	sadd.s32 s3, s29;
	s30 =	spop (v2sf)  }
0x56: {  	s0 =	sadd.s32 $0x680, s12;
	s26 =	sadd.s32 $0x380, s12;
	s25 =	sand.u32 $0x1FFFFFF0, s30  }
0x57: {  	(v2sf) =	vpush v0, $0xC;
	[tilespmem:s23], [sflag:$0x1] =	stream.linear.gather [hbm4b:s22+s2], $0x80, $0x38;
	[tilespmem:$0x10200] =	vst v63  }
0x58: {  	s31 =	sand.u32 $0x1FFFFFF0, s28;
	s28 =	spop (v2sf);
	s29 =	sadd.s32 s3, s25  }
0x59: {  	(v2sf) =	vpush v0, $0xD;
	[tilespmem:s26], [sflag:$0x1] =	stream.linear.gather [hbm4b:s29+s2], $0x80, $0x38;
	[tilespmem:$0x10200] =	vst v63  }
0x5a: {  	s22 =	sadd.s32 s3, s31;
	s23 =	sand.u32 $0x1FFFFFF0, s28;
	s30 =	spop (v2sf)  }
0x5b: {  	(v2sf) =	vpush v0, $0xE;
	[tilespmem:s20], [sflag:$0x1] =	stream.linear.gather [hbm4b:s22+s2], $0x80, $0x38;
	[tilespmem:$0x10200] =	vst v63  }
0x5c: {  	s23 =	sadd.s32 s3, s23;
	s31 =	sand.u32 $0x1FFFFFF0, s30;
	s24 =	spop (v2sf)  }
0x5d: {  	(v2sf) =	vpush v0, $0xF;
	[tilespmem:s17], [sflag:$0x1] =	stream.linear.gather [hbm4b:s23+s2], $0x80, $0x38;
	[tilespmem:$0x10200] =	vst v63  }
0x5e: {  	s25 =	sand.u32 $0x1FFFFFF0, s24;
	s26 =	spop (v2sf);
	s20 =	sadd.s32 s3, s31  }
0x5f: {  	[tilespmem:s21], [sflag:$0x1] =	stream.linear.gather [hbm4b:s20+s2], $0x80, $0x38;
	[tilespmem:$0x10200] =	vst v63  }
0x60: {  	s28 =	sand.u32 $0x1FFFFFF0, s26;
	s17 =	sadd.s32 s3, s25;
	s29 =	spop (v2sf)  }
0x61: {  	[tilespmem:s16], [sflag:$0x1] =	stream.linear.gather [hbm4b:s17+s2], $0x80, $0x38;
	[tilespmem:$0x10200] =	vst v63  }
0x62: {  	s20 =	sadd.s32 s3, s28;
	s30 =	sand.u32 $0x1FFFFFF0, s29;
	s31 =	spop (v2sf)  }
0x63: {  	[tilespmem:s18], [sflag:$0x1] =	stream.linear.gather [hbm4b:s20+s2], $0x80, $0x38;
	[tilespmem:$0x10200] =	vst v63  }
0x64: {  	s17 =	sand.u32 $0x1FFFFFF0, s31;
	s16 =	sadd.s32 s3, s30;
	s20 =	spop (v2sf)  }
0x65: {  	[tilespmem:s0], [sflag:$0x1] =	stream.linear.gather [hbm4b:s16+s2], $0x80, $0x38;
	[tilespmem:$0x10200] =	vst v63  }
0x66: {  	s17 =	sadd.s32 s3, s17;
	s21 =	sand.u32 $0x1FFFFFF0, s20;
	s22 =	spop (v2sf)  }
0x67: {  	[tilespmem:s19], [sflag:$0x1] =	stream.linear.gather [hbm4b:s17+s2], $0x80, $0x38;
	[tilespmem:$0x10200] =	vst v63  }
0x68: {  	s0 =	sadd.s32 s3, s21;
	s16 =	sand.u32 $0x1FFFFFF0, s22;
	s23 =	spop (v2sf)  }
0x69: {  	[tilespmem:s15], [sflag:$0x1] =	stream.linear.gather [hbm4b:s0+s2], $0x80, $0x38;
	[tilespmem:$0x10200] =	vst v63  }
0x6a: {  	s24 =	sand.u32 $0x1FFFFFF0, s23;
	s16 =	sadd.s32 s3, s16;
	s25 =	spop (v2sf)  }
0x6b: {  	[tilespmem:s13], [sflag:$0x1] =	stream.linear.gather [hbm4b:s16+s2], $0x80, $0x38;
	[tilespmem:$0x10200] =	vst v63  }
0x6c: {  	s26 =	sand.u32 $0x1FFFFFF0, s25;
	s28 =	spop (v2sf);
	s0 =	sadd.s32 s3, s24  }
0x6d: {  	[tilespmem:s14], [sflag:$0x1] =	stream.linear.gather [hbm4b:s0+s2], $0x80, $0x38;
	[tilespmem:$0x10200] =	vst v63  }
0x6e: {  	s30 =	sadd.s32 $0x900, s12;
	s29 =	sand.u32 $0x1FFFFFF0, s28;
	s13 =	sadd.s32 s3, s26  }
0x6f: {  	[tilespmem:s30], [sflag:$0x1] =	stream.linear.gather [hbm4b:s13+s2], $0x80, $0x38;
	[tilespmem:$0x10200] =	vst v63  }
0x70: {  	s31 =	sadd.s32 $0x980, s12;
	s0 =	sadd.s32 s3, s29  }
0x71: {  	[tilespmem:s31], [sflag:$0x1] =	stream.linear.gather [hbm4b:s0+s2], $0x80, $0x38;
	[tilespmem:$0x10200] =	vst v63  }
0x72: {  	s11 =	sadd.s32 $0x1, s11;
	_ =	swait.ge [sflag:s8], $0x10000  }
0x73: {  	p0 =	sne.s32 s11, s6;
	[sflag:s8] =	ssyncset.done $0x0  }
.Ltmp1:
0x74: {  	[sflag:s8] =	ssyncadd.s32 $0xFFFF0000;
	(pc) =	sbr.rel @p0 .LBB2_1-.Ltmp1, $4  }
0x75: {  	[hbm4b:s5+s2] =	stream.linear.scatter [tilespmem:s9], [sflag:$0x2], $0x10000, $0x38;
	[tilespmem:$0x10200] =	vst v63  }
0x76: {  	_ =	swait.ge [sflag:s10], $0x10000  }
0x77: {  	[sflag:s10] =	ssyncset.done $0x0  }
0x78: {  	[sflag:s10] =	ssyncadd.s32 $0xFFFF0000  }
0x79: {  	_ =	sfence.sel $0x180000  }
0x7a: {  	[bflag:$0x0] =	sbarrier.arrive $0xFFFF  }
0x7b: {  	_ =	strace $0x9000004A  }
0x7c: {  	[bflag:$0x2] =	sbarrier.arrive $0xFFFF  }
0x7d: {  	p0 =	sne.s32 s1, $0x0;
	s0 =	rddreg [dreg:$0x2]  }
0x7e: {  	s0 =	sadd.s32 @!p0 $0x100000, s0  }
0x7f: {  	[sflag:s0] =	ssyncadd.tile.s32 @!p0 $0x1;
	_ =	shalt  }
.Lfunc_end2:
_tile_overlayer_lowered:
.L_overlay_start_2:
0x80: {  	(tag) =	ssettag $0x2  }
0x81: {  	s0 =	rddreg [dreg:$0x0];
	s2 =	stileid.u32  }
0x82: {  	s1 =	rddreg [dreg:$0x1];
	p0 =	sne.s32 s2, $0x0  }
0x83: {  	s3 =	rddreg [dreg:$0x2];
	[bflag:$0x3] =	sbarrier.arrive $0xFFFF;
	s2 =	simm.s32 @!p0 $0x1C03  }
0x84: {  	[timem:s3], [sflag:s2] =	dma.local @!p0 [hbm:s0], s1  }
0x85: {  	s0 =	simm.s32 @!p0 $0x3  }
0x86: {  	_ =	swait.ge @!p0 [sflag:s0], s1  }
0x87: {  	s1 =	ssub.s32 @!p0 $0x0, s1;
	[sflag:s0] =	ssyncset.done @!p0 $0x0  }
0x88: {  	[sflag:s0] =	ssyncadd.s32 @!p0 s1  }
0x89: {  	[bflag:$0x3] =	sbarrier.arrive $0xFFFF  }
0x8a: {  	_ =	shalt  }

</sc_bundles>
